<compile_context>
chip_gen: v7x
topology: tpu7x:2x2x1
jax: 0.10.2.dev20260603
libtpu: 0.0.44.dev20260713+nightly
codegen_flags: <defaults>
</compile_context>

<pallas_src>
import jax
import jax.numpy as jnp
from jax import lax
from jax.experimental import pallas as pl
from jax.experimental.pallas import tpu as pltpu
from jax.experimental.pallas import tpu_sc as plsc

VOCAB = 400000
EMBED_DIM = 50
DP = 128
BATCH = 4096
SEQ = 200

_INFO = plsc.get_sparse_core_info()
_NC = _INFO.num_cores
_NS = _INFO.num_subcores
_NW = _NC * _NS

_B = BATCH * SEQ
_PER_W = _B // _NW
_G = 128
_SUB = 1
_CHUNK = _G * _SUB
_STEPS = _PER_W // _CHUNK
_XROWS = _PER_W // _G

_WOFF = (0, 16, 32, 34)


def _gather_body(x_hbm, tab_hbm, out_hbm, idx_v, raw0, raw1, raw2,
                 pk0, pk1, pk2, sg0, sg1, sg2, ss0, ss1, ss2):
    wid = lax.axis_index("s") * _NC + lax.axis_index("c")
    obase = wid * _PER_W
    rawb, pkb = (raw0, raw1, raw2), (pk0, pk1, pk2)
    sgb, ssb = (sg0, sg1, sg2), (ss0, ss1, ss2)

    def fire(i, b):
        for j in range(_SUB):
            pltpu.async_copy(tab_hbm.at[idx_v.at[i * _SUB + j]],
                             rawb[b].at[pl.ds(j * _G, _G)], sgb[b])

    def drain(b):
        pltpu.make_async_copy(tab_hbm.at[pl.ds(0, _CHUNK)], rawb[b], sgb[b])\
            .wait()

    def compact(b):
        raw, pk = rawb[b], pkb[b]

        def rows4(rr, c):
            for u in range(4):
                r = rr * 4 + u
                for w in _WOFF:
                    pk[r, pl.ds(w, 16)] = raw[r, pl.ds(w, 16)]
            return c

        lax.fori_loop(0, _CHUNK // 4, rows4, 0)

    def store(i, b):
        pltpu.async_copy(pkb[b],
                         out_hbm.at[pl.ds(obase + i * _CHUNK, _CHUNK)],
                         ssb[b])

    def drain_store(b):
        pltpu.make_async_copy(pkb[b], out_hbm.at[pl.ds(0, _CHUNK)], ssb[b])\
            .wait()

    pltpu.sync_copy(x_hbm.at[pl.ds(wid * _XROWS, _XROWS)], idx_v)
    fire(0, 0)
    fire(1, 1)

    def step(it, c):
        for b in (0, 1, 2):
            i = 3 * it + b
            drain(b)
            fire(i + 2, (b + 2) % 3)

            @pl.when(it > 0)
            def _():
                drain_store(b)

            compact(b)
            store(i, b)
        return c

    lax.fori_loop(0, (_STEPS - 2) // 3, step, 0)

    for i in (_STEPS - 2, _STEPS - 1):
        b = i % 3
        drain(b)
        drain_store(b)
        compact(b)
        store(i, b)
    for b in (0, 1, 2):
        drain_store(b)


def kernel(x, emb_table):
    idx = x.reshape(_B // _G, _G).astype(jnp.int32)
    tab128 = jnp.pad(emb_table, ((0, 0), (0, DP - EMBED_DIM)))

    gather = pl.kernel(
        _gather_body,
        out_type=jax.ShapeDtypeStruct((_B, EMBED_DIM), jnp.float32),
        mesh=plsc.VectorSubcoreMesh(core_axis_name="c", subcore_axis_name="s"),
        scratch_types=[
            pltpu.VMEM((_XROWS, _G), jnp.int32),
            pltpu.VMEM((_CHUNK, DP), jnp.float32),
            pltpu.VMEM((_CHUNK, DP), jnp.float32),
            pltpu.VMEM((_CHUNK, DP), jnp.float32),
            pltpu.VMEM((_CHUNK, EMBED_DIM), jnp.float32),
            pltpu.VMEM((_CHUNK, EMBED_DIM), jnp.float32),
            pltpu.VMEM((_CHUNK, EMBED_DIM), jnp.float32),
            pltpu.SemaphoreType.DMA,
            pltpu.SemaphoreType.DMA,
            pltpu.SemaphoreType.DMA,
            pltpu.SemaphoreType.DMA,
            pltpu.SemaphoreType.DMA,
            pltpu.SemaphoreType.DMA,
        ],
        compiler_params=pltpu.CompilerParams(use_tc_tiling_on_sc=True,
                                             needs_layout_passes=False),
    )
    out = gather(idx, tab128)
    return out.reshape(BATCH, SEQ, EMBED_DIM)

# --- scband reference (transcript-rebuilt; emitter-appended) ---
"""Pipeline reference for scband-method-text-classification-64905545777434 (READ-ONLY COPY).

The authoritative reference and input builder live on the scoring server;
editing this copy changes nothing except your own understanding.
"""

import jax, jax.numpy as jnp
import numpy as np

VOCAB = 400000
EMBED_DIM = 50
BATCH = 4096
SEQ = 200

def setup_inputs(seed: int = 0) -> dict:
    key = jax.random.key(seed)
    k1, k2 = jax.random.split(key)
    x = jax.random.randint(k1, (BATCH, SEQ), 0, VOCAB, dtype=jnp.int64 if jax.config.jax_enable_x64 else jnp.int32)
    emb_table = jax.random.normal(k2, (VOCAB, EMBED_DIM), dtype=jnp.float32)
    return {"x": x, "emb_table": emb_table}

def reference(x, emb_table):
    # Faithful to the runnable part of forward: x = self.emb(x)
    # nn.Embedding lookup == row gather from the table.
    out = jnp.take(emb_table, x, axis=0)  # [BATCH, SEQ, EMBED_DIM]
    return out

if __name__ == "__main__":
    import jax
    _d = setup_inputs()
    print(jax.jit(kernel)(*tuple(_d.values())))

</pallas_src>

<mosaic_0001>
#map = affine_map<(d0, d1) -> (0, 0)>
module attributes {stable_mosaic.version = 14 : i64} {
  func.func @_gather_body(%arg0: i32, %arg1: i32, %arg2: memref<6400x128xi32, #tpu.memory_space<hbm>>, %arg3: memref<400000x128xf32, #tpu.memory_space<hbm>>, %arg4: memref<819200x50xf32, #tpu.memory_space<hbm>>, %arg5: memref<200x128xi32, #tpu.memory_space<vmem>>, %arg6: memref<128x128xf32, #tpu.memory_space<vmem>>, %arg7: memref<128x128xf32, #tpu.memory_space<vmem>>, %arg8: memref<128x128xf32, #tpu.memory_space<vmem>>, %arg9: memref<128x50xf32, #tpu.memory_space<vmem>>, %arg10: memref<128x50xf32, #tpu.memory_space<vmem>>, %arg11: memref<128x50xf32, #tpu.memory_space<vmem>>, %arg12: memref<!tpu.dma_semaphore, #tpu.memory_space<semaphore_mem>>, %arg13: memref<!tpu.dma_semaphore, #tpu.memory_space<semaphore_mem>>, %arg14: memref<!tpu.dma_semaphore, #tpu.memory_space<semaphore_mem>>, %arg15: memref<!tpu.dma_semaphore, #tpu.memory_space<semaphore_mem>>, %arg16: memref<!tpu.dma_semaphore, #tpu.memory_space<semaphore_mem>>, %arg17: memref<!tpu.dma_semaphore, #tpu.memory_space<semaphore_mem>>) attributes {dimension_semantics = [#tpu.dimension_semantics<core_parallel>, #tpu.dimension_semantics<subcore_parallel>], iteration_bounds = array<i64: 2, 16>, scalar_prefetch = 0 : i64, scratch_operands = 13 : i64, tpu.core_type = #tpu.core_type<sc_vector_subcore>, window_params = [{transform_indices = #map}, {transform_indices = #map}, {transform_indices = #map}]} {
    %mul3A = arith.constant 2 : i32
    %mul3A_0 = arith.muli %arg1, %mul3A : i32
    %add3A = arith.addi %mul3A_0, %arg0 : i32
    %mul3A_1 = arith.constant 25600 : i32
    %mul3A_2 = arith.muli %add3A, %mul3A_1 : i32
    %mul3A_3 = arith.constant 200 : i32
    %mul3A_4 = arith.muli %add3A, %mul3A_3 : i32
    "tpu.region"() ({
      %run_scoped3A = tpu.sem_alloc : memref<!tpu.dma_semaphore, #tpu.memory_space<semaphore_mem>>
      %dma_start3A_94 = arith.constant 0 : i32
      %dma_start3A_95 = tpu.memref_slice %arg2[%mul3A_4, %dma_start3A_94] : memref<6400x128xi32, #tpu.memory_space<hbm>> -> memref<200x128xi32, #tpu.memory_space<hbm>>
      %dma_start3A_96 = arith.constant 0 : i32
      %dma_start3A_97 = tpu.memref_slice %arg2[%mul3A_4, %dma_start3A_96] : memref<6400x128xi32, #tpu.memory_space<hbm>> -> memref<200x128xi32, #tpu.memory_space<hbm>>
      tpu.enqueue_dma source(%dma_start3A_97 : memref<200x128xi32, #tpu.memory_space<hbm>>) target(%arg5 : memref<200x128xi32, #tpu.memory_space<vmem>>) target_semaphore(%run_scoped3A : memref<!tpu.dma_semaphore, #tpu.memory_space<semaphore_mem>>)
      %dma_wait3A_98 = arith.constant 0 : i32
      %dma_wait3A_99 = tpu.memref_slice %arg2[%mul3A_4, %dma_wait3A_98] : memref<6400x128xi32, #tpu.memory_space<hbm>> -> memref<200x128xi32, #tpu.memory_space<hbm>>
      %dma_wait3A_100 = arith.constant 0 : i32
      %dma_wait3A_101 = tpu.memref_slice %arg2[%mul3A_4, %dma_wait3A_100] : memref<6400x128xi32, #tpu.memory_space<hbm>> -> memref<200x128xi32, #tpu.memory_space<hbm>>
      tpu.wait_dma2 semaphore(%run_scoped3A : memref<!tpu.dma_semaphore, #tpu.memory_space<semaphore_mem>>) src(%dma_wait3A_101 : memref<200x128xi32, #tpu.memory_space<hbm>>) dst(%arg5 : memref<200x128xi32, #tpu.memory_space<vmem>>)
      tpu.yield
    }) : () -> ()
    %dma_start3A = arith.constant 0 : i32
    %dma_start3A_5 = arith.constant 0 : i32
    %dma_start3A_6 = arith.constant 0 : i32
    %dma_start3A_7 = tpu.memref_slice %arg6[%dma_start3A_5, %dma_start3A_6] : memref<128x128xf32, #tpu.memory_space<vmem>> -> memref<128x128xf32, #tpu.memory_space<vmem>>
    %dma_start3A_8 = arith.constant 0 : i32
    %dma_start3A_9 = tpu.memref_slice %arg5[%dma_start3A, %dma_start3A_8] : memref<200x128xi32, #tpu.memory_space<vmem>> -> memref<1x128xi32, #tpu.memory_space<vmem>>
    %dma_start3A_10 = tpu.memref_squeeze %dma_start3A_9 : memref<1x128xi32, #tpu.memory_space<vmem>> -> memref<128xi32, #tpu.memory_space<vmem>>
    %dma_start3A_11 = arith.constant 0 : i32
    %dma_start3A_12 = arith.constant 0 : i32
    %dma_start3A_13 = tpu.memref_slice %arg3[%dma_start3A_11, %dma_start3A_12] : memref<400000x128xf32, #tpu.memory_space<hbm>> -> memref<400000x128xf32, #tpu.memory_space<hbm>>
    tpu.enqueue_indirect_dma source(%dma_start3A_13 : memref<400000x128xf32, #tpu.memory_space<hbm>>) target(%dma_start3A_7 : memref<128x128xf32, #tpu.memory_space<vmem>>) offsets(%dma_start3A_10 : memref<128xi32, #tpu.memory_space<vmem>>) semaphore(%arg12 : memref<!tpu.dma_semaphore, #tpu.memory_space<semaphore_mem>>)
    %dma_start3A_14 = arith.constant 1 : i32
    %dma_start3A_15 = arith.constant 0 : i32
    %dma_start3A_16 = arith.constant 0 : i32
    %dma_start3A_17 = tpu.memref_slice %arg7[%dma_start3A_15, %dma_start3A_16] : memref<128x128xf32, #tpu.memory_space<vmem>> -> memref<128x128xf32, #tpu.memory_space<vmem>>
    %dma_start3A_18 = arith.constant 0 : i32
    %dma_start3A_19 = tpu.memref_slice %arg5[%dma_start3A_14, %dma_start3A_18] : memref<200x128xi32, #tpu.memory_space<vmem>> -> memref<1x128xi32, #tpu.memory_space<vmem>>
    %dma_start3A_20 = tpu.memref_squeeze %dma_start3A_19 : memref<1x128xi32, #tpu.memory_space<vmem>> -> memref<128xi32, #tpu.memory_space<vmem>>
    %dma_start3A_21 = arith.constant 0 : i32
    %dma_start3A_22 = arith.constant 0 : i32
    %dma_start3A_23 = tpu.memref_slice %arg3[%dma_start3A_21, %dma_start3A_22] : memref<400000x128xf32, #tpu.memory_space<hbm>> -> memref<400000x128xf32, #tpu.memory_space<hbm>>
    tpu.enqueue_indirect_dma source(%dma_start3A_23 : memref<400000x128xf32, #tpu.memory_space<hbm>>) target(%dma_start3A_17 : memref<128x128xf32, #tpu.memory_space<vmem>>) offsets(%dma_start3A_20 : memref<128xi32, #tpu.memory_space<vmem>>) semaphore(%arg13 : memref<!tpu.dma_semaphore, #tpu.memory_space<semaphore_mem>>)
    %scan3A = arith.constant 0 : i32
    %scan3A_24 = arith.constant 0 : i32
    %scan3A_25 = arith.constant 66 : i32
    %scan3A_26 = arith.addi %scan3A_24, %scan3A_25 : i32
    %scan3A_27 = arith.constant 1 : i32
    scf.for %scan3A_94 = %scan3A_24 to %scan3A_26 step %scan3A_27  : i32 {
      %mul3A_95 = arith.constant 3 : i32
      %mul3A_96 = arith.muli %mul3A_95, %scan3A_94 : i32
      %add3A_97 = arith.constant 0 : i32
      %add3A_98 = arith.addi %mul3A_96, %add3A_97 : i32
      %dma_wait3A_99 = arith.constant 0 : i32
      %dma_wait3A_100 = arith.constant 0 : i32
      %dma_wait3A_101 = tpu.memref_slice %arg3[%dma_wait3A_99, %dma_wait3A_100] : memref<400000x128xf32, #tpu.memory_space<hbm>> -> memref<128x128xf32, #tpu.memory_space<hbm>>
      %dma_wait3A_102 = arith.constant 0 : i32
      %dma_wait3A_103 = arith.constant 0 : i32
      %dma_wait3A_104 = tpu.memref_slice %arg3[%dma_wait3A_102, %dma_wait3A_103] : memref<400000x128xf32, #tpu.memory_space<hbm>> -> memref<128x128xf32, #tpu.memory_space<hbm>>
      tpu.wait_dma2 semaphore(%arg12 : memref<!tpu.dma_semaphore, #tpu.memory_space<semaphore_mem>>) src(%dma_wait3A_104 : memref<128x128xf32, #tpu.memory_space<hbm>>) dst(%arg6 : memref<128x128xf32, #tpu.memory_space<vmem>>)
      %add3A_105 = arith.constant 2 : i32
      %add3A_106 = arith.addi %add3A_98, %add3A_105 : i32
      %mul3A_107 = arith.constant 1 : i32
      %mul3A_108 = arith.muli %add3A_106, %mul3A_107 : i32
      %add3A_109 = arith.constant 0 : i32
      %add3A_110 = arith.addi %mul3A_108, %add3A_109 : i32
      %dma_start3A_111 = arith.constant 0 : i32
      %dma_start3A_112 = arith.constant 0 : i32
      %dma_start3A_113 = tpu.memref_slice %arg8[%dma_start3A_111, %dma_start3A_112] : memref<128x128xf32, #tpu.memory_space<vmem>> -> memref<128x128xf32, #tpu.memory_space<vmem>>
      %dma_start3A_114 = arith.constant 0 : i32
      %dma_start3A_115 = tpu.memref_slice %arg5[%add3A_110, %dma_start3A_114] : memref<200x128xi32, #tpu.memory_space<vmem>> -> memref<1x128xi32, #tpu.memory_space<vmem>>
      %dma_start3A_116 = tpu.memref_squeeze %dma_start3A_115 : memref<1x128xi32, #tpu.memory_space<vmem>> -> memref<128xi32, #tpu.memory_space<vmem>>
      %dma_start3A_117 = arith.constant 0 : i32
      %dma_start3A_118 = arith.constant 0 : i32
      %dma_start3A_119 = tpu.memref_slice %arg3[%dma_start3A_117, %dma_start3A_118] : memref<400000x128xf32, #tpu.memory_space<hbm>> -> memref<400000x128xf32, #tpu.memory_space<hbm>>
      tpu.enqueue_indirect_dma source(%dma_start3A_119 : memref<400000x128xf32, #tpu.memory_space<hbm>>) target(%dma_start3A_113 : memref<128x128xf32, #tpu.memory_space<vmem>>) offsets(%dma_start3A_116 : memref<128xi32, #tpu.memory_space<vmem>>) semaphore(%arg14 : memref<!tpu.dma_semaphore, #tpu.memory_space<semaphore_mem>>)
      %gt3A = arith.constant 0 : i32
      %gt3A_120 = arith.cmpi sgt, %scan3A_94, %gt3A : i32
      %convert_element_type3A = arith.extui %gt3A_120 : i1 to i32
      %cond3A = arith.constant 0 : i32
      %cond3A_121 = arith.cmpi ne, %convert_element_type3A, %cond3A : i32
      scf.if %cond3A_121 {
        %dma_wait3A_221 = arith.constant 0 : i32
        %dma_wait3A_222 = arith.constant 0 : i32
        %dma_wait3A_223 = tpu.memref_slice %arg4[%dma_wait3A_221, %dma_wait3A_222] : memref<819200x50xf32, #tpu.memory_space<hbm>> -> memref<128x50xf32, #tpu.memory_space<hbm>>
        %dma_wait3A_224 = arith.constant 0 : i32
        %dma_wait3A_225 = arith.constant 0 : i32
        %dma_wait3A_226 = tpu.memref_slice %arg4[%dma_wait3A_224, %dma_wait3A_225] : memref<819200x50xf32, #tpu.memory_space<hbm>> -> memref<128x50xf32, #tpu.memory_space<hbm>>
        tpu.wait_dma2 semaphore(%arg15 : memref<!tpu.dma_semaphore, #tpu.memory_space<semaphore_mem>>) src(%arg9 : memref<128x50xf32, #tpu.memory_space<vmem>>) dst(%dma_wait3A_226 : memref<128x50xf32, #tpu.memory_space<hbm>>)
      } else {
      }
      %scan3A_122 = arith.constant 0 : i32
      %scan3A_123 = arith.constant 0 : i32
      %scan3A_124 = arith.constant 32 : i32
      %scan3A_125 = arith.addi %scan3A_123, %scan3A_124 : i32
      %scan3A_126 = arith.constant 1 : i32
      scf.for %scan3A_221 = %scan3A_123 to %scan3A_125 step %scan3A_126  : i32 {
        %mul3A_222 = arith.constant 4 : i32
        %mul3A_223 = arith.muli %scan3A_221, %mul3A_222 : i32
        %add3A_224 = arith.constant 0 : i32
        %add3A_225 = arith.addi %mul3A_223, %add3A_224 : i32
        %get3A = arith.index_cast %add3A_225 : i32 to index
        %get3A_226 = arith.constant 0 : index
        %get3A_227 = tpu.vector_load %arg6[%get3A, %get3A_226] {strides = array<i32>} : memref<128x128xf32, #tpu.memory_space<vmem>>, vector<16xf32>,
        %swap3A = arith.index_cast %add3A_225 : i32 to index
        %swap3A_228 = arith.constant 0 : index
        %swap3A_229 = tpu.vector_load %arg9[%swap3A, %swap3A_228] {strides = array<i32>} : memref<128x50xf32, #tpu.memory_space<vmem>>, vector<16xf32>,
        tpu.vector_store %arg9[%swap3A, %swap3A_228], %get3A_227 {strides = array<i32>} : memref<128x50xf32, #tpu.memory_space<vmem>>, vector<16xf32>,
        %get3A_230 = arith.index_cast %add3A_225 : i32 to index
        %get3A_231 = arith.constant 16 : index
        %get3A_232 = tpu.vector_load %arg6[%get3A_230, %get3A_231] {strides = array<i32>} : memref<128x128xf32, #tpu.memory_space<vmem>>, vector<16xf32>,
        %swap3A_233 = arith.index_cast %add3A_225 : i32 to index
        %swap3A_234 = arith.constant 16 : index
        %swap3A_235 = tpu.vector_load %arg9[%swap3A_233, %swap3A_234] {strides = array<i32>} : memref<128x50xf32, #tpu.memory_space<vmem>>, vector<16xf32>,
        tpu.vector_store %arg9[%swap3A_233, %swap3A_234], %get3A_232 {strides = array<i32>} : memref<128x50xf32, #tpu.memory_space<vmem>>, vector<16xf32>,
        %get3A_236 = arith.index_cast %add3A_225 : i32 to index
        %get3A_237 = arith.constant 32 : index
        %get3A_238 = tpu.vector_load %arg6[%get3A_236, %get3A_237] {strides = array<i32>} : memref<128x128xf32, #tpu.memory_space<vmem>>, vector<16xf32>,
        %swap3A_239 = arith.index_cast %add3A_225 : i32 to index
        %swap3A_240 = arith.constant 32 : index
        %swap3A_241 = tpu.vector_load %arg9[%swap3A_239, %swap3A_240] {strides = array<i32>} : memref<128x50xf32, #tpu.memory_space<vmem>>, vector<16xf32>,
        tpu.vector_store %arg9[%swap3A_239, %swap3A_240], %get3A_238 {strides = array<i32>} : memref<128x50xf32, #tpu.memory_space<vmem>>, vector<16xf32>,
        %get3A_242 = arith.index_cast %add3A_225 : i32 to index
        %get3A_243 = arith.constant 34 : index
        %get3A_244 = tpu.vector_load %arg6[%get3A_242, %get3A_243] {strides = array<i32>} : memref<128x128xf32, #tpu.memory_space<vmem>>, vector<16xf32>,
        %swap3A_245 = arith.index_cast %add3A_225 : i32 to index
        %swap3A_246 = arith.constant 34 : index
        %swap3A_247 = tpu.vector_load %arg9[%swap3A_245, %swap3A_246] {strides = array<i32>} : memref<128x50xf32, #tpu.memory_space<vmem>>, vector<16xf32>,
        tpu.vector_store %arg9[%swap3A_245, %swap3A_246], %get3A_244 {strides = array<i32>} : memref<128x50xf32, #tpu.memory_space<vmem>>, vector<16xf32>,
        %mul3A_248 = arith.constant 4 : i32
        %mul3A_249 = arith.muli %scan3A_221, %mul3A_248 : i32
        %add3A_250 = arith.constant 1 : i32
        %add3A_251 = arith.addi %mul3A_249, %add3A_250 : i32
        %get3A_252 = arith.index_cast %add3A_251 : i32 to index
        %get3A_253 = arith.constant 0 : index
        %get3A_254 = tpu.vector_load %arg6[%get3A_252, %get3A_253] {strides = array<i32>} : memref<128x128xf32, #tpu.memory_space<vmem>>, vector<16xf32>,
        %swap3A_255 = arith.index_cast %add3A_251 : i32 to index
        %swap3A_256 = arith.constant 0 : index
        %swap3A_257 = tpu.vector_load %arg9[%swap3A_255, %swap3A_256] {strides = array<i32>} : memref<128x50xf32, #tpu.memory_space<vmem>>, vector<16xf32>,
        tpu.vector_store %arg9[%swap3A_255, %swap3A_256], %get3A_254 {strides = array<i32>} : memref<128x50xf32, #tpu.memory_space<vmem>>, vector<16xf32>,
        %get3A_258 = arith.index_cast %add3A_251 : i32 to index
        %get3A_259 = arith.constant 16 : index
        %get3A_260 = tpu.vector_load %arg6[%get3A_258, %get3A_259] {strides = array<i32>} : memref<128x128xf32, #tpu.memory_space<vmem>>, vector<16xf32>,
        %swap3A_261 = arith.index_cast %add3A_251 : i32 to index
        %swap3A_262 = arith.constant 16 : index
        %swap3A_263 = tpu.vector_load %arg9[%swap3A_261, %swap3A_262] {strides = array<i32>} : memref<128x50xf32, #tpu.memory_space<vmem>>, vector<16xf32>,
        tpu.vector_store %arg9[%swap3A_261, %swap3A_262], %get3A_260 {strides = array<i32>} : memref<128x50xf32, #tpu.memory_space<vmem>>, vector<16xf32>,
        %get3A_264 = arith.index_cast %add3A_251 : i32 to index
        %get3A_265 = arith.constant 32 : index
        %get3A_266 = tpu.vector_load %arg6[%get3A_264, %get3A_265] {strides = array<i32>} : memref<128x128xf32, #tpu.memory_space<vmem>>, vector<16xf32>,
        %swap3A_267 = arith.index_cast %add3A_251 : i32 to index
        %swap3A_268 = arith.constant 32 : index
        %swap3A_269 = tpu.vector_load %arg9[%swap3A_267, %swap3A_268] {strides = array<i32>} : memref<128x50xf32, #tpu.memory_space<vmem>>, vector<16xf32>,
        tpu.vector_store %arg9[%swap3A_267, %swap3A_268], %get3A_266 {strides = array<i32>} : memref<128x50xf32, #tpu.memory_space<vmem>>, vector<16xf32>,
        %get3A_270 = arith.index_cast %add3A_251 : i32 to index
        %get3A_271 = arith.constant 34 : index
        %get3A_272 = tpu.vector_load %arg6[%get3A_270, %get3A_271] {strides = array<i32>} : memref<128x128xf32, #tpu.memory_space<vmem>>, vector<16xf32>,
        %swap3A_273 = arith.index_cast %add3A_251 : i32 to index
        %swap3A_274 = arith.constant 34 : index
        %swap3A_275 = tpu.vector_load %arg9[%swap3A_273, %swap3A_274] {strides = array<i32>} : memref<128x50xf32, #tpu.memory_space<vmem>>, vector<16xf32>,
        tpu.vector_store %arg9[%swap3A_273, %swap3A_274], %get3A_272 {strides = array<i32>} : memref<128x50xf32, #tpu.memory_space<vmem>>, vector<16xf32>,
        %mul3A_276 = arith.constant 4 : i32
        %mul3A_277 = arith.muli %scan3A_221, %mul3A_276 : i32
        %add3A_278 = arith.constant 2 : i32
        %add3A_279 = arith.addi %mul3A_277, %add3A_278 : i32
        %get3A_280 = arith.index_cast %add3A_279 : i32 to index
        %get3A_281 = arith.constant 0 : index
        %get3A_282 = tpu.vector_load %arg6[%get3A_280, %get3A_281] {strides = array<i32>} : memref<128x128xf32, #tpu.memory_space<vmem>>, vector<16xf32>,
        %swap3A_283 = arith.index_cast %add3A_279 : i32 to index
        %swap3A_284 = arith.constant 0 : index
        %swap3A_285 = tpu.vector_load %arg9[%swap3A_283, %swap3A_284] {strides = array<i32>} : memref<128x50xf32, #tpu.memory_space<vmem>>, vector<16xf32>,
        tpu.vector_store %arg9[%swap3A_283, %swap3A_284], %get3A_282 {strides = array<i32>} : memref<128x50xf32, #tpu.memory_space<vmem>>, vector<16xf32>,
        %get3A_286 = arith.index_cast %add3A_279 : i32 to index
        %get3A_287 = arith.constant 16 : index
        %get3A_288 = tpu.vector_load %arg6[%get3A_286, %get3A_287] {strides = array<i32>} : memref<128x128xf32, #tpu.memory_space<vmem>>, vector<16xf32>,
        %swap3A_289 = arith.index_cast %add3A_279 : i32 to index
        %swap3A_290 = arith.constant 16 : index
        %swap3A_291 = tpu.vector_load %arg9[%swap3A_289, %swap3A_290] {strides = array<i32>} : memref<128x50xf32, #tpu.memory_space<vmem>>, vector<16xf32>,
        tpu.vector_store %arg9[%swap3A_289, %swap3A_290], %get3A_288 {strides = array<i32>} : memref<128x50xf32, #tpu.memory_space<vmem>>, vector<16xf32>,
        %get3A_292 = arith.index_cast %add3A_279 : i32 to index
        %get3A_293 = arith.constant 32 : index
        %get3A_294 = tpu.vector_load %arg6[%get3A_292, %get3A_293] {strides = array<i32>} : memref<128x128xf32, #tpu.memory_space<vmem>>, vector<16xf32>,
        %swap3A_295 = arith.index_cast %add3A_279 : i32 to index
        %swap3A_296 = arith.constant 32 : index
        %swap3A_297 = tpu.vector_load %arg9[%swap3A_295, %swap3A_296] {strides = array<i32>} : memref<128x50xf32, #tpu.memory_space<vmem>>, vector<16xf32>,
        tpu.vector_store %arg9[%swap3A_295, %swap3A_296], %get3A_294 {strides = array<i32>} : memref<128x50xf32, #tpu.memory_space<vmem>>, vector<16xf32>,
        %get3A_298 = arith.index_cast %add3A_279 : i32 to index
        %get3A_299 = arith.constant 34 : index
        %get3A_300 = tpu.vector_load %arg6[%get3A_298, %get3A_299] {strides = array<i32>} : memref<128x128xf32, #tpu.memory_space<vmem>>, vector<16xf32>,
        %swap3A_301 = arith.index_cast %add3A_279 : i32 to index
        %swap3A_302 = arith.constant 34 : index
        %swap3A_303 = tpu.vector_load %arg9[%swap3A_301, %swap3A_302] {strides = array<i32>} : memref<128x50xf32, #tpu.memory_space<vmem>>, vector<16xf32>,
        tpu.vector_store %arg9[%swap3A_301, %swap3A_302], %get3A_300 {strides = array<i32>} : memref<128x50xf32, #tpu.memory_space<vmem>>, vector<16xf32>,
        %mul3A_304 = arith.constant 4 : i32
        %mul3A_305 = arith.muli %scan3A_221, %mul3A_304 : i32
        %add3A_306 = arith.constant 3 : i32
        %add3A_307 = arith.addi %mul3A_305, %add3A_306 : i32
        %get3A_308 = arith.index_cast %add3A_307 : i32 to index
        %get3A_309 = arith.constant 0 : index
        %get3A_310 = tpu.vector_load %arg6[%get3A_308, %get3A_309] {strides = array<i32>} : memref<128x128xf32, #tpu.memory_space<vmem>>, vector<16xf32>,
        %swap3A_311 = arith.index_cast %add3A_307 : i32 to index
        %swap3A_312 = arith.constant 0 : index
        %swap3A_313 = tpu.vector_load %arg9[%swap3A_311, %swap3A_312] {strides = array<i32>} : memref<128x50xf32, #tpu.memory_space<vmem>>, vector<16xf32>,
        tpu.vector_store %arg9[%swap3A_311, %swap3A_312], %get3A_310 {strides = array<i32>} : memref<128x50xf32, #tpu.memory_space<vmem>>, vector<16xf32>,
        %get3A_314 = arith.index_cast %add3A_307 : i32 to index
        %get3A_315 = arith.constant 16 : index
        %get3A_316 = tpu.vector_load %arg6[%get3A_314, %get3A_315] {strides = array<i32>} : memref<128x128xf32, #tpu.memory_space<vmem>>, vector<16xf32>,
        %swap3A_317 = arith.index_cast %add3A_307 : i32 to index
        %swap3A_318 = arith.constant 16 : index
        %swap3A_319 = tpu.vector_load %arg9[%swap3A_317, %swap3A_318] {strides = array<i32>} : memref<128x50xf32, #tpu.memory_space<vmem>>, vector<16xf32>,
        tpu.vector_store %arg9[%swap3A_317, %swap3A_318], %get3A_316 {strides = array<i32>} : memref<128x50xf32, #tpu.memory_space<vmem>>, vector<16xf32>,
        %get3A_320 = arith.index_cast %add3A_307 : i32 to index
        %get3A_321 = arith.constant 32 : index
        %get3A_322 = tpu.vector_load %arg6[%get3A_320, %get3A_321] {strides = array<i32>} : memref<128x128xf32, #tpu.memory_space<vmem>>, vector<16xf32>,
        %swap3A_323 = arith.index_cast %add3A_307 : i32 to index
        %swap3A_324 = arith.constant 32 : index
        %swap3A_325 = tpu.vector_load %arg9[%swap3A_323, %swap3A_324] {strides = array<i32>} : memref<128x50xf32, #tpu.memory_space<vmem>>, vector<16xf32>,
        tpu.vector_store %arg9[%swap3A_323, %swap3A_324], %get3A_322 {strides = array<i32>} : memref<128x50xf32, #tpu.memory_space<vmem>>, vector<16xf32>,
        %get3A_326 = arith.index_cast %add3A_307 : i32 to index
        %get3A_327 = arith.constant 34 : index
        %get3A_328 = tpu.vector_load %arg6[%get3A_326, %get3A_327] {strides = array<i32>} : memref<128x128xf32, #tpu.memory_space<vmem>>, vector<16xf32>,
        %swap3A_329 = arith.index_cast %add3A_307 : i32 to index
        %swap3A_330 = arith.constant 34 : index
        %swap3A_331 = tpu.vector_load %arg9[%swap3A_329, %swap3A_330] {strides = array<i32>} : memref<128x50xf32, #tpu.memory_space<vmem>>, vector<16xf32>,
        tpu.vector_store %arg9[%swap3A_329, %swap3A_330], %get3A_328 {strides = array<i32>} : memref<128x50xf32, #tpu.memory_space<vmem>>, vector<16xf32>,
      }
      %scan3A_127 = arith.constant 32 : i32
      %mul3A_128 = arith.constant 128 : i32
      %mul3A_129 = arith.muli %add3A_98, %mul3A_128 : i32
      %add3A_130 = arith.addi %mul3A_2, %mul3A_129 : i32
      %dma_start3A_131 = arith.constant 0 : i32
      %dma_start3A_132 = tpu.memref_slice %arg4[%add3A_130, %dma_start3A_131] : memref<819200x50xf32, #tpu.memory_space<hbm>> -> memref<128x50xf32, #tpu.memory_space<hbm>>
      %dma_start3A_133 = arith.constant 0 : i32
      %dma_start3A_134 = tpu.memref_slice %arg4[%add3A_130, %dma_start3A_133] : memref<819200x50xf32, #tpu.memory_space<hbm>> -> memref<128x50xf32, #tpu.memory_space<hbm>>
      tpu.enqueue_dma source(%arg9 : memref<128x50xf32, #tpu.memory_space<vmem>>) target(%dma_start3A_134 : memref<128x50xf32, #tpu.memory_space<hbm>>) target_semaphore(%arg15 : memref<!tpu.dma_semaphore, #tpu.memory_space<semaphore_mem>>)
      %mul3A_135 = arith.constant 3 : i32
      %mul3A_136 = arith.muli %mul3A_135, %scan3A_94 : i32
      %add3A_137 = arith.constant 1 : i32
      %add3A_138 = arith.addi %mul3A_136, %add3A_137 : i32
      %dma_wait3A_139 = arith.constant 0 : i32
      %dma_wait3A_140 = arith.constant 0 : i32
      %dma_wait3A_141 = tpu.memref_slice %arg3[%dma_wait3A_139, %dma_wait3A_140] : memref<400000x128xf32, #tpu.memory_space<hbm>> -> memref<128x128xf32, #tpu.memory_space<hbm>>
      %dma_wait3A_142 = arith.constant 0 : i32
      %dma_wait3A_143 = arith.constant 0 : i32
      %dma_wait3A_144 = tpu.memref_slice %arg3[%dma_wait3A_142, %dma_wait3A_143] : memref<400000x128xf32, #tpu.memory_space<hbm>> -> memref<128x128xf32, #tpu.memory_space<hbm>>
      tpu.wait_dma2 semaphore(%arg13 : memref<!tpu.dma_semaphore, #tpu.memory_space<semaphore_mem>>) src(%dma_wait3A_144 : memref<128x128xf32, #tpu.memory_space<hbm>>) dst(%arg7 : memref<128x128xf32, #tpu.memory_space<vmem>>)
      %add3A_145 = arith.constant 2 : i32
      %add3A_146 = arith.addi %add3A_138, %add3A_145 : i32
      %mul3A_147 = arith.constant 1 : i32
      %mul3A_148 = arith.muli %add3A_146, %mul3A_147 : i32
      %add3A_149 = arith.constant 0 : i32
      %add3A_150 = arith.addi %mul3A_148, %add3A_149 : i32
      %dma_start3A_151 = arith.constant 0 : i32
      %dma_start3A_152 = arith.constant 0 : i32
      %dma_start3A_153 = tpu.memref_slice %arg6[%dma_start3A_151, %dma_start3A_152] : memref<128x128xf32, #tpu.memory_space<vmem>> -> memref<128x128xf32, #tpu.memory_space<vmem>>
      %dma_start3A_154 = arith.constant 0 : i32
      %dma_start3A_155 = tpu.memref_slice %arg5[%add3A_150, %dma_start3A_154] : memref<200x128xi32, #tpu.memory_space<vmem>> -> memref<1x128xi32, #tpu.memory_space<vmem>>
      %dma_start3A_156 = tpu.memref_squeeze %dma_start3A_155 : memref<1x128xi32, #tpu.memory_space<vmem>> -> memref<128xi32, #tpu.memory_space<vmem>>
      %dma_start3A_157 = arith.constant 0 : i32
      %dma_start3A_158 = arith.constant 0 : i32
      %dma_start3A_159 = tpu.memref_slice %arg3[%dma_start3A_157, %dma_start3A_158] : memref<400000x128xf32, #tpu.memory_space<hbm>> -> memref<400000x128xf32, #tpu.memory_space<hbm>>
      tpu.enqueue_indirect_dma source(%dma_start3A_159 : memref<400000x128xf32, #tpu.memory_space<hbm>>) target(%dma_start3A_153 : memref<128x128xf32, #tpu.memory_space<vmem>>) offsets(%dma_start3A_156 : memref<128xi32, #tpu.memory_space<vmem>>) semaphore(%arg12 : memref<!tpu.dma_semaphore, #tpu.memory_space<semaphore_mem>>)
      %gt3A_160 = arith.constant 0 : i32
      %gt3A_161 = arith.cmpi sgt, %scan3A_94, %gt3A_160 : i32
      %convert_element_type3A_162 = arith.extui %gt3A_161 : i1 to i32
      %cond3A_163 = arith.constant 0 : i32
      %cond3A_164 = arith.cmpi ne, %convert_element_type3A_162, %cond3A_163 : i32
      scf.if %cond3A_164 {
        %dma_wait3A_221 = arith.constant 0 : i32
        %dma_wait3A_222 = arith.constant 0 : i32
        %dma_wait3A_223 = tpu.memref_slice %arg4[%dma_wait3A_221, %dma_wait3A_222] : memref<819200x50xf32, #tpu.memory_space<hbm>> -> memref<128x50xf32, #tpu.memory_space<hbm>>
        %dma_wait3A_224 = arith.constant 0 : i32
        %dma_wait3A_225 = arith.constant 0 : i32
        %dma_wait3A_226 = tpu.memref_slice %arg4[%dma_wait3A_224, %dma_wait3A_225] : memref<819200x50xf32, #tpu.memory_space<hbm>> -> memref<128x50xf32, #tpu.memory_space<hbm>>
        tpu.wait_dma2 semaphore(%arg16 : memref<!tpu.dma_semaphore, #tpu.memory_space<semaphore_mem>>) src(%arg10 : memref<128x50xf32, #tpu.memory_space<vmem>>) dst(%dma_wait3A_226 : memref<128x50xf32, #tpu.memory_space<hbm>>)
      } else {
      }
      %scan3A_165 = arith.constant 0 : i32
      %scan3A_166 = arith.constant 0 : i32
      %scan3A_167 = arith.constant 32 : i32
      %scan3A_168 = arith.addi %scan3A_166, %scan3A_167 : i32
      %scan3A_169 = arith.constant 1 : i32
      scf.for %scan3A_221 = %scan3A_166 to %scan3A_168 step %scan3A_169  : i32 {
        %mul3A_222 = arith.constant 4 : i32
        %mul3A_223 = arith.muli %scan3A_221, %mul3A_222 : i32
        %add3A_224 = arith.constant 0 : i32
        %add3A_225 = arith.addi %mul3A_223, %add3A_224 : i32
        %get3A = arith.index_cast %add3A_225 : i32 to index
        %get3A_226 = arith.constant 0 : index
        %get3A_227 = tpu.vector_load %arg7[%get3A, %get3A_226] {strides = array<i32>} : memref<128x128xf32, #tpu.memory_space<vmem>>, vector<16xf32>,
        %swap3A = arith.index_cast %add3A_225 : i32 to index
        %swap3A_228 = arith.constant 0 : index
        %swap3A_229 = tpu.vector_load %arg10[%swap3A, %swap3A_228] {strides = array<i32>} : memref<128x50xf32, #tpu.memory_space<vmem>>, vector<16xf32>,
        tpu.vector_store %arg10[%swap3A, %swap3A_228], %get3A_227 {strides = array<i32>} : memref<128x50xf32, #tpu.memory_space<vmem>>, vector<16xf32>,
        %get3A_230 = arith.index_cast %add3A_225 : i32 to index
        %get3A_231 = arith.constant 16 : index
        %get3A_232 = tpu.vector_load %arg7[%get3A_230, %get3A_231] {strides = array<i32>} : memref<128x128xf32, #tpu.memory_space<vmem>>, vector<16xf32>,
        %swap3A_233 = arith.index_cast %add3A_225 : i32 to index
        %swap3A_234 = arith.constant 16 : index
        %swap3A_235 = tpu.vector_load %arg10[%swap3A_233, %swap3A_234] {strides = array<i32>} : memref<128x50xf32, #tpu.memory_space<vmem>>, vector<16xf32>,
        tpu.vector_store %arg10[%swap3A_233, %swap3A_234], %get3A_232 {strides = array<i32>} : memref<128x50xf32, #tpu.memory_space<vmem>>, vector<16xf32>,
        %get3A_236 = arith.index_cast %add3A_225 : i32 to index
        %get3A_237 = arith.constant 32 : index
        %get3A_238 = tpu.vector_load %arg7[%get3A_236, %get3A_237] {strides = array<i32>} : memref<128x128xf32, #tpu.memory_space<vmem>>, vector<16xf32>,
        %swap3A_239 = arith.index_cast %add3A_225 : i32 to index
        %swap3A_240 = arith.constant 32 : index
        %swap3A_241 = tpu.vector_load %arg10[%swap3A_239, %swap3A_240] {strides = array<i32>} : memref<128x50xf32, #tpu.memory_space<vmem>>, vector<16xf32>,
        tpu.vector_store %arg10[%swap3A_239, %swap3A_240], %get3A_238 {strides = array<i32>} : memref<128x50xf32, #tpu.memory_space<vmem>>, vector<16xf32>,
        %get3A_242 = arith.index_cast %add3A_225 : i32 to index
        %get3A_243 = arith.constant 34 : index
        %get3A_244 = tpu.vector_load %arg7[%get3A_242, %get3A_243] {strides = array<i32>} : memref<128x128xf32, #tpu.memory_space<vmem>>, vector<16xf32>,
        %swap3A_245 = arith.index_cast %add3A_225 : i32 to index
        %swap3A_246 = arith.constant 34 : index
        %swap3A_247 = tpu.vector_load %arg10[%swap3A_245, %swap3A_246] {strides = array<i32>} : memref<128x50xf32, #tpu.memory_space<vmem>>, vector<16xf32>,
        tpu.vector_store %arg10[%swap3A_245, %swap3A_246], %get3A_244 {strides = array<i32>} : memref<128x50xf32, #tpu.memory_space<vmem>>, vector<16xf32>,
        %mul3A_248 = arith.constant 4 : i32
        %mul3A_249 = arith.muli %scan3A_221, %mul3A_248 : i32
        %add3A_250 = arith.constant 1 : i32
        %add3A_251 = arith.addi %mul3A_249, %add3A_250 : i32
        %get3A_252 = arith.index_cast %add3A_251 : i32 to index
        %get3A_253 = arith.constant 0 : index
        %get3A_254 = tpu.vector_load %arg7[%get3A_252, %get3A_253] {strides = array<i32>} : memref<128x128xf32, #tpu.memory_space<vmem>>, vector<16xf32>,
        %swap3A_255 = arith.index_cast %add3A_251 : i32 to index
        %swap3A_256 = arith.constant 0 : index
        %swap3A_257 = tpu.vector_load %arg10[%swap3A_255, %swap3A_256] {strides = array<i32>} : memref<128x50xf32, #tpu.memory_space<vmem>>, vector<16xf32>,
        tpu.vector_store %arg10[%swap3A_255, %swap3A_256], %get3A_254 {strides = array<i32>} : memref<128x50xf32, #tpu.memory_space<vmem>>, vector<16xf32>,
        %get3A_258 = arith.index_cast %add3A_251 : i32 to index
        %get3A_259 = arith.constant 16 : index
        %get3A_260 = tpu.vector_load %arg7[%get3A_258, %get3A_259] {strides = array<i32>} : memref<128x128xf32, #tpu.memory_space<vmem>>, vector<16xf32>,
        %swap3A_261 = arith.index_cast %add3A_251 : i32 to index
        %swap3A_262 = arith.constant 16 : index
        %swap3A_263 = tpu.vector_load %arg10[%swap3A_261, %swap3A_262] {strides = array<i32>} : memref<128x50xf32, #tpu.memory_space<vmem>>, vector<16xf32>,
        tpu.vector_store %arg10[%swap3A_261, %swap3A_262], %get3A_260 {strides = array<i32>} : memref<128x50xf32, #tpu.memory_space<vmem>>, vector<16xf32>,
        %get3A_264 = arith.index_cast %add3A_251 : i32 to index
        %get3A_265 = arith.constant 32 : index
        %get3A_266 = tpu.vector_load %arg7[%get3A_264, %get3A_265] {strides = array<i32>} : memref<128x128xf32, #tpu.memory_space<vmem>>, vector<16xf32>,
        %swap3A_267 = arith.index_cast %add3A_251 : i32 to index
        %swap3A_268 = arith.constant 32 : index
        %swap3A_269 = tpu.vector_load %arg10[%swap3A_267, %swap3A_268] {strides = array<i32>} : memref<128x50xf32, #tpu.memory_space<vmem>>, vector<16xf32>,
        tpu.vector_store %arg10[%swap3A_267, %swap3A_268], %get3A_266 {strides = array<i32>} : memref<128x50xf32, #tpu.memory_space<vmem>>, vector<16xf32>,
        %get3A_270 = arith.index_cast %add3A_251 : i32 to index
        %get3A_271 = arith.constant 34 : index
        %get3A_272 = tpu.vector_load %arg7[%get3A_270, %get3A_271] {strides = array<i32>} : memref<128x128xf32, #tpu.memory_space<vmem>>, vector<16xf32>,
        %swap3A_273 = arith.index_cast %add3A_251 : i32 to index
        %swap3A_274 = arith.constant 34 : index
        %swap3A_275 = tpu.vector_load %arg10[%swap3A_273, %swap3A_274] {strides = array<i32>} : memref<128x50xf32, #tpu.memory_space<vmem>>, vector<16xf32>,
        tpu.vector_store %arg10[%swap3A_273, %swap3A_274], %get3A_272 {strides = array<i32>} : memref<128x50xf32, #tpu.memory_space<vmem>>, vector<16xf32>,
        %mul3A_276 = arith.constant 4 : i32
        %mul3A_277 = arith.muli %scan3A_221, %mul3A_276 : i32
        %add3A_278 = arith.constant 2 : i32
        %add3A_279 = arith.addi %mul3A_277, %add3A_278 : i32
        %get3A_280 = arith.index_cast %add3A_279 : i32 to index
        %get3A_281 = arith.constant 0 : index
        %get3A_282 = tpu.vector_load %arg7[%get3A_280, %get3A_281] {strides = array<i32>} : memref<128x128xf32, #tpu.memory_space<vmem>>, vector<16xf32>,
        %swap3A_283 = arith.index_cast %add3A_279 : i32 to index
        %swap3A_284 = arith.constant 0 : index
        %swap3A_285 = tpu.vector_load %arg10[%swap3A_283, %swap3A_284] {strides = array<i32>} : memref<128x50xf32, #tpu.memory_space<vmem>>, vector<16xf32>,
        tpu.vector_store %arg10[%swap3A_283, %swap3A_284], %get3A_282 {strides = array<i32>} : memref<128x50xf32, #tpu.memory_space<vmem>>, vector<16xf32>,
        %get3A_286 = arith.index_cast %add3A_279 : i32 to index
        %get3A_287 = arith.constant 16 : index
        %get3A_288 = tpu.vector_load %arg7[%get3A_286, %get3A_287] {strides = array<i32>} : memref<128x128xf32, #tpu.memory_space<vmem>>, vector<16xf32>,
        %swap3A_289 = arith.index_cast %add3A_279 : i32 to index
        %swap3A_290 = arith.constant 16 : index
        %swap3A_291 = tpu.vector_load %arg10[%swap3A_289, %swap3A_290] {strides = array<i32>} : memref<128x50xf32, #tpu.memory_space<vmem>>, vector<16xf32>,
        tpu.vector_store %arg10[%swap3A_289, %swap3A_290], %get3A_288 {strides = array<i32>} : memref<128x50xf32, #tpu.memory_space<vmem>>, vector<16xf32>,
        %get3A_292 = arith.index_cast %add3A_279 : i32 to index
        %get3A_293 = arith.constant 32 : index
        %get3A_294 = tpu.vector_load %arg7[%get3A_292, %get3A_293] {strides = array<i32>} : memref<128x128xf32, #tpu.memory_space<vmem>>, vector<16xf32>,
        %swap3A_295 = arith.index_cast %add3A_279 : i32 to index
        %swap3A_296 = arith.constant 32 : index
        %swap3A_297 = tpu.vector_load %arg10[%swap3A_295, %swap3A_296] {strides = array<i32>} : memref<128x50xf32, #tpu.memory_space<vmem>>, vector<16xf32>,
        tpu.vector_store %arg10[%swap3A_295, %swap3A_296], %get3A_294 {strides = array<i32>} : memref<128x50xf32, #tpu.memory_space<vmem>>, vector<16xf32>,
        %get3A_298 = arith.index_cast %add3A_279 : i32 to index
        %get3A_299 = arith.constant 34 : index
        %get3A_300 = tpu.vector_load %arg7[%get3A_298, %get3A_299] {strides = array<i32>} : memref<128x128xf32, #tpu.memory_space<vmem>>, vector<16xf32>,
        %swap3A_301 = arith.index_cast %add3A_279 : i32 to index
        %swap3A_302 = arith.constant 34 : index
        %swap3A_303 = tpu.vector_load %arg10[%swap3A_301, %swap3A_302] {strides = array<i32>} : memref<128x50xf32, #tpu.memory_space<vmem>>, vector<16xf32>,
        tpu.vector_store %arg10[%swap3A_301, %swap3A_302], %get3A_300 {strides = array<i32>} : memref<128x50xf32, #tpu.memory_space<vmem>>, vector<16xf32>,
        %mul3A_304 = arith.constant 4 : i32
        %mul3A_305 = arith.muli %scan3A_221, %mul3A_304 : i32
        %add3A_306 = arith.constant 3 : i32
        %add3A_307 = arith.addi %mul3A_305, %add3A_306 : i32
        %get3A_308 = arith.index_cast %add3A_307 : i32 to index
        %get3A_309 = arith.constant 0 : index
        %get3A_310 = tpu.vector_load %arg7[%get3A_308, %get3A_309] {strides = array<i32>} : memref<128x128xf32, #tpu.memory_space<vmem>>, vector<16xf32>,
        %swap3A_311 = arith.index_cast %add3A_307 : i32 to index
        %swap3A_312 = arith.constant 0 : index
        %swap3A_313 = tpu.vector_load %arg10[%swap3A_311, %swap3A_312] {strides = array<i32>} : memref<128x50xf32, #tpu.memory_space<vmem>>, vector<16xf32>,
        tpu.vector_store %arg10[%swap3A_311, %swap3A_312], %get3A_310 {strides = array<i32>} : memref<128x50xf32, #tpu.memory_space<vmem>>, vector<16xf32>,
        %get3A_314 = arith.index_cast %add3A_307 : i32 to index
        %get3A_315 = arith.constant 16 : index
        %get3A_316 = tpu.vector_load %arg7[%get3A_314, %get3A_315] {strides = array<i32>} : memref<128x128xf32, #tpu.memory_space<vmem>>, vector<16xf32>,
        %swap3A_317 = arith.index_cast %add3A_307 : i32 to index
        %swap3A_318 = arith.constant 16 : index
        %swap3A_319 = tpu.vector_load %arg10[%swap3A_317, %swap3A_318] {strides = array<i32>} : memref<128x50xf32, #tpu.memory_space<vmem>>, vector<16xf32>,
        tpu.vector_store %arg10[%swap3A_317, %swap3A_318], %get3A_316 {strides = array<i32>} : memref<128x50xf32, #tpu.memory_space<vmem>>, vector<16xf32>,
        %get3A_320 = arith.index_cast %add3A_307 : i32 to index
        %get3A_321 = arith.constant 32 : index
        %get3A_322 = tpu.vector_load %arg7[%get3A_320, %get3A_321] {strides = array<i32>} : memref<128x128xf32, #tpu.memory_space<vmem>>, vector<16xf32>,
        %swap3A_323 = arith.index_cast %add3A_307 : i32 to index
        %swap3A_324 = arith.constant 32 : index
        %swap3A_325 = tpu.vector_load %arg10[%swap3A_323, %swap3A_324] {strides = array<i32>} : memref<128x50xf32, #tpu.memory_space<vmem>>, vector<16xf32>,
        tpu.vector_store %arg10[%swap3A_323, %swap3A_324], %get3A_322 {strides = array<i32>} : memref<128x50xf32, #tpu.memory_space<vmem>>, vector<16xf32>,
        %get3A_326 = arith.index_cast %add3A_307 : i32 to index
        %get3A_327 = arith.constant 34 : index
        %get3A_328 = tpu.vector_load %arg7[%get3A_326, %get3A_327] {strides = array<i32>} : memref<128x128xf32, #tpu.memory_space<vmem>>, vector<16xf32>,
        %swap3A_329 = arith.index_cast %add3A_307 : i32 to index
        %swap3A_330 = arith.constant 34 : index
        %swap3A_331 = tpu.vector_load %arg10[%swap3A_329, %swap3A_330] {strides = array<i32>} : memref<128x50xf32, #tpu.memory_space<vmem>>, vector<16xf32>,
        tpu.vector_store %arg10[%swap3A_329, %swap3A_330], %get3A_328 {strides = array<i32>} : memref<128x50xf32, #tpu.memory_space<vmem>>, vector<16xf32>,
      }
      %scan3A_170 = arith.constant 32 : i32
      %mul3A_171 = arith.constant 128 : i32
      %mul3A_172 = arith.muli %add3A_138, %mul3A_171 : i32
      %add3A_173 = arith.addi %mul3A_2, %mul3A_172 : i32
      %dma_start3A_174 = arith.constant 0 : i32
      %dma_start3A_175 = tpu.memref_slice %arg4[%add3A_173, %dma_start3A_174] : memref<819200x50xf32, #tpu.memory_space<hbm>> -> memref<128x50xf32, #tpu.memory_space<hbm>>
      %dma_start3A_176 = arith.constant 0 : i32
      %dma_start3A_177 = tpu.memref_slice %arg4[%add3A_173, %dma_start3A_176] : memref<819200x50xf32, #tpu.memory_space<hbm>> -> memref<128x50xf32, #tpu.memory_space<hbm>>
      tpu.enqueue_dma source(%arg10 : memref<128x50xf32, #tpu.memory_space<vmem>>) target(%dma_start3A_177 : memref<128x50xf32, #tpu.memory_space<hbm>>) target_semaphore(%arg16 : memref<!tpu.dma_semaphore, #tpu.memory_space<semaphore_mem>>)
      %mul3A_178 = arith.constant 3 : i32
      %mul3A_179 = arith.muli %mul3A_178, %scan3A_94 : i32
      %add3A_180 = arith.constant 2 : i32
      %add3A_181 = arith.addi %mul3A_179, %add3A_180 : i32
      %dma_wait3A_182 = arith.constant 0 : i32
      %dma_wait3A_183 = arith.constant 0 : i32
      %dma_wait3A_184 = tpu.memref_slice %arg3[%dma_wait3A_182, %dma_wait3A_183] : memref<400000x128xf32, #tpu.memory_space<hbm>> -> memref<128x128xf32, #tpu.memory_space<hbm>>
      %dma_wait3A_185 = arith.constant 0 : i32
      %dma_wait3A_186 = arith.constant 0 : i32
      %dma_wait3A_187 = tpu.memref_slice %arg3[%dma_wait3A_185, %dma_wait3A_186] : memref<400000x128xf32, #tpu.memory_space<hbm>> -> memref<128x128xf32, #tpu.memory_space<hbm>>
      tpu.wait_dma2 semaphore(%arg14 : memref<!tpu.dma_semaphore, #tpu.memory_space<semaphore_mem>>) src(%dma_wait3A_187 : memref<128x128xf32, #tpu.memory_space<hbm>>) dst(%arg8 : memref<128x128xf32, #tpu.memory_space<vmem>>)
      %add3A_188 = arith.constant 2 : i32
      %add3A_189 = arith.addi %add3A_181, %add3A_188 : i32
      %mul3A_190 = arith.constant 1 : i32
      %mul3A_191 = arith.muli %add3A_189, %mul3A_190 : i32
      %add3A_192 = arith.constant 0 : i32
      %add3A_193 = arith.addi %mul3A_191, %add3A_192 : i32
      %dma_start3A_194 = arith.constant 0 : i32
      %dma_start3A_195 = arith.constant 0 : i32
      %dma_start3A_196 = tpu.memref_slice %arg7[%dma_start3A_194, %dma_start3A_195] : memref<128x128xf32, #tpu.memory_space<vmem>> -> memref<128x128xf32, #tpu.memory_space<vmem>>
      %dma_start3A_197 = arith.constant 0 : i32
      %dma_start3A_198 = tpu.memref_slice %arg5[%add3A_193, %dma_start3A_197] : memref<200x128xi32, #tpu.memory_space<vmem>> -> memref<1x128xi32, #tpu.memory_space<vmem>>
      %dma_start3A_199 = tpu.memref_squeeze %dma_start3A_198 : memref<1x128xi32, #tpu.memory_space<vmem>> -> memref<128xi32, #tpu.memory_space<vmem>>
      %dma_start3A_200 = arith.constant 0 : i32
      %dma_start3A_201 = arith.constant 0 : i32
      %dma_start3A_202 = tpu.memref_slice %arg3[%dma_start3A_200, %dma_start3A_201] : memref<400000x128xf32, #tpu.memory_space<hbm>> -> memref<400000x128xf32, #tpu.memory_space<hbm>>
      tpu.enqueue_indirect_dma source(%dma_start3A_202 : memref<400000x128xf32, #tpu.memory_space<hbm>>) target(%dma_start3A_196 : memref<128x128xf32, #tpu.memory_space<vmem>>) offsets(%dma_start3A_199 : memref<128xi32, #tpu.memory_space<vmem>>) semaphore(%arg13 : memref<!tpu.dma_semaphore, #tpu.memory_space<semaphore_mem>>)
      %gt3A_203 = arith.constant 0 : i32
      %gt3A_204 = arith.cmpi sgt, %scan3A_94, %gt3A_203 : i32
      %convert_element_type3A_205 = arith.extui %gt3A_204 : i1 to i32
      %cond3A_206 = arith.constant 0 : i32
      %cond3A_207 = arith.cmpi ne, %convert_element_type3A_205, %cond3A_206 : i32
      scf.if %cond3A_207 {
        %dma_wait3A_221 = arith.constant 0 : i32
        %dma_wait3A_222 = arith.constant 0 : i32
        %dma_wait3A_223 = tpu.memref_slice %arg4[%dma_wait3A_221, %dma_wait3A_222] : memref<819200x50xf32, #tpu.memory_space<hbm>> -> memref<128x50xf32, #tpu.memory_space<hbm>>
        %dma_wait3A_224 = arith.constant 0 : i32
        %dma_wait3A_225 = arith.constant 0 : i32
        %dma_wait3A_226 = tpu.memref_slice %arg4[%dma_wait3A_224, %dma_wait3A_225] : memref<819200x50xf32, #tpu.memory_space<hbm>> -> memref<128x50xf32, #tpu.memory_space<hbm>>
        tpu.wait_dma2 semaphore(%arg17 : memref<!tpu.dma_semaphore, #tpu.memory_space<semaphore_mem>>) src(%arg11 : memref<128x50xf32, #tpu.memory_space<vmem>>) dst(%dma_wait3A_226 : memref<128x50xf32, #tpu.memory_space<hbm>>)
      } else {
      }
      %scan3A_208 = arith.constant 0 : i32
      %scan3A_209 = arith.constant 0 : i32
      %scan3A_210 = arith.constant 32 : i32
      %scan3A_211 = arith.addi %scan3A_209, %scan3A_210 : i32
      %scan3A_212 = arith.constant 1 : i32
      scf.for %scan3A_221 = %scan3A_209 to %scan3A_211 step %scan3A_212  : i32 {
        %mul3A_222 = arith.constant 4 : i32
        %mul3A_223 = arith.muli %scan3A_221, %mul3A_222 : i32
        %add3A_224 = arith.constant 0 : i32
        %add3A_225 = arith.addi %mul3A_223, %add3A_224 : i32
        %get3A = arith.index_cast %add3A_225 : i32 to index
        %get3A_226 = arith.constant 0 : index
        %get3A_227 = tpu.vector_load %arg8[%get3A, %get3A_226] {strides = array<i32>} : memref<128x128xf32, #tpu.memory_space<vmem>>, vector<16xf32>,
        %swap3A = arith.index_cast %add3A_225 : i32 to index
        %swap3A_228 = arith.constant 0 : index
        %swap3A_229 = tpu.vector_load %arg11[%swap3A, %swap3A_228] {strides = array<i32>} : memref<128x50xf32, #tpu.memory_space<vmem>>, vector<16xf32>,
        tpu.vector_store %arg11[%swap3A, %swap3A_228], %get3A_227 {strides = array<i32>} : memref<128x50xf32, #tpu.memory_space<vmem>>, vector<16xf32>,
        %get3A_230 = arith.index_cast %add3A_225 : i32 to index
        %get3A_231 = arith.constant 16 : index
        %get3A_232 = tpu.vector_load %arg8[%get3A_230, %get3A_231] {strides = array<i32>} : memref<128x128xf32, #tpu.memory_space<vmem>>, vector<16xf32>,
        %swap3A_233 = arith.index_cast %add3A_225 : i32 to index
        %swap3A_234 = arith.constant 16 : index
        %swap3A_235 = tpu.vector_load %arg11[%swap3A_233, %swap3A_234] {strides = array<i32>} : memref<128x50xf32, #tpu.memory_space<vmem>>, vector<16xf32>,
        tpu.vector_store %arg11[%swap3A_233, %swap3A_234], %get3A_232 {strides = array<i32>} : memref<128x50xf32, #tpu.memory_space<vmem>>, vector<16xf32>,
        %get3A_236 = arith.index_cast %add3A_225 : i32 to index
        %get3A_237 = arith.constant 32 : index
        %get3A_238 = tpu.vector_load %arg8[%get3A_236, %get3A_237] {strides = array<i32>} : memref<128x128xf32, #tpu.memory_space<vmem>>, vector<16xf32>,
        %swap3A_239 = arith.index_cast %add3A_225 : i32 to index
        %swap3A_240 = arith.constant 32 : index
        %swap3A_241 = tpu.vector_load %arg11[%swap3A_239, %swap3A_240] {strides = array<i32>} : memref<128x50xf32, #tpu.memory_space<vmem>>, vector<16xf32>,
        tpu.vector_store %arg11[%swap3A_239, %swap3A_240], %get3A_238 {strides = array<i32>} : memref<128x50xf32, #tpu.memory_space<vmem>>, vector<16xf32>,
        %get3A_242 = arith.index_cast %add3A_225 : i32 to index
        %get3A_243 = arith.constant 34 : index
        %get3A_244 = tpu.vector_load %arg8[%get3A_242, %get3A_243] {strides = array<i32>} : memref<128x128xf32, #tpu.memory_space<vmem>>, vector<16xf32>,
        %swap3A_245 = arith.index_cast %add3A_225 : i32 to index
        %swap3A_246 = arith.constant 34 : index
        %swap3A_247 = tpu.vector_load %arg11[%swap3A_245, %swap3A_246] {strides = array<i32>} : memref<128x50xf32, #tpu.memory_space<vmem>>, vector<16xf32>,
        tpu.vector_store %arg11[%swap3A_245, %swap3A_246], %get3A_244 {strides = array<i32>} : memref<128x50xf32, #tpu.memory_space<vmem>>, vector<16xf32>,
        %mul3A_248 = arith.constant 4 : i32
        %mul3A_249 = arith.muli %scan3A_221, %mul3A_248 : i32
        %add3A_250 = arith.constant 1 : i32
        %add3A_251 = arith.addi %mul3A_249, %add3A_250 : i32
        %get3A_252 = arith.index_cast %add3A_251 : i32 to index
        %get3A_253 = arith.constant 0 : index
        %get3A_254 = tpu.vector_load %arg8[%get3A_252, %get3A_253] {strides = array<i32>} : memref<128x128xf32, #tpu.memory_space<vmem>>, vector<16xf32>,
        %swap3A_255 = arith.index_cast %add3A_251 : i32 to index
        %swap3A_256 = arith.constant 0 : index
        %swap3A_257 = tpu.vector_load %arg11[%swap3A_255, %swap3A_256] {strides = array<i32>} : memref<128x50xf32, #tpu.memory_space<vmem>>, vector<16xf32>,
        tpu.vector_store %arg11[%swap3A_255, %swap3A_256], %get3A_254 {strides = array<i32>} : memref<128x50xf32, #tpu.memory_space<vmem>>, vector<16xf32>,
        %get3A_258 = arith.index_cast %add3A_251 : i32 to index
        %get3A_259 = arith.constant 16 : index
        %get3A_260 = tpu.vector_load %arg8[%get3A_258, %get3A_259] {strides = array<i32>} : memref<128x128xf32, #tpu.memory_space<vmem>>, vector<16xf32>,
        %swap3A_261 = arith.index_cast %add3A_251 : i32 to index
        %swap3A_262 = arith.constant 16 : index
        %swap3A_263 = tpu.vector_load %arg11[%swap3A_261, %swap3A_262] {strides = array<i32>} : memref<128x50xf32, #tpu.memory_space<vmem>>, vector<16xf32>,
        tpu.vector_store %arg11[%swap3A_261, %swap3A_262], %get3A_260 {strides = array<i32>} : memref<128x50xf32, #tpu.memory_space<vmem>>, vector<16xf32>,
        %get3A_264 = arith.index_cast %add3A_251 : i32 to index
        %get3A_265 = arith.constant 32 : index
        %get3A_266 = tpu.vector_load %arg8[%get3A_264, %get3A_265] {strides = array<i32>} : memref<128x128xf32, #tpu.memory_space<vmem>>, vector<16xf32>,
        %swap3A_267 = arith.index_cast %add3A_251 : i32 to index
        %swap3A_268 = arith.constant 32 : index
        %swap3A_269 = tpu.vector_load %arg11[%swap3A_267, %swap3A_268] {strides = array<i32>} : memref<128x50xf32, #tpu.memory_space<vmem>>, vector<16xf32>,
        tpu.vector_store %arg11[%swap3A_267, %swap3A_268], %get3A_266 {strides = array<i32>} : memref<128x50xf32, #tpu.memory_space<vmem>>, vector<16xf32>,
        %get3A_270 = arith.index_cast %add3A_251 : i32 to index
        %get3A_271 = arith.constant 34 : index
        %get3A_272 = tpu.vector_load %arg8[%get3A_270, %get3A_271] {strides = array<i32>} : memref<128x128xf32, #tpu.memory_space<vmem>>, vector<16xf32>,
        %swap3A_273 = arith.index_cast %add3A_251 : i32 to index
        %swap3A_274 = arith.constant 34 : index
        %swap3A_275 = tpu.vector_load %arg11[%swap3A_273, %swap3A_274] {strides = array<i32>} : memref<128x50xf32, #tpu.memory_space<vmem>>, vector<16xf32>,
        tpu.vector_store %arg11[%swap3A_273, %swap3A_274], %get3A_272 {strides = array<i32>} : memref<128x50xf32, #tpu.memory_space<vmem>>, vector<16xf32>,
        %mul3A_276 = arith.constant 4 : i32
        %mul3A_277 = arith.muli %scan3A_221, %mul3A_276 : i32
        %add3A_278 = arith.constant 2 : i32
        %add3A_279 = arith.addi %mul3A_277, %add3A_278 : i32
        %get3A_280 = arith.index_cast %add3A_279 : i32 to index
        %get3A_281 = arith.constant 0 : index
        %get3A_282 = tpu.vector_load %arg8[%get3A_280, %get3A_281] {strides = array<i32>} : memref<128x128xf32, #tpu.memory_space<vmem>>, vector<16xf32>,
        %swap3A_283 = arith.index_cast %add3A_279 : i32 to index
        %swap3A_284 = arith.constant 0 : index
        %swap3A_285 = tpu.vector_load %arg11[%swap3A_283, %swap3A_284] {strides = array<i32>} : memref<128x50xf32, #tpu.memory_space<vmem>>, vector<16xf32>,
        tpu.vector_store %arg11[%swap3A_283, %swap3A_284], %get3A_282 {strides = array<i32>} : memref<128x50xf32, #tpu.memory_space<vmem>>, vector<16xf32>,
        %get3A_286 = arith.index_cast %add3A_279 : i32 to index
        %get3A_287 = arith.constant 16 : index
        %get3A_288 = tpu.vector_load %arg8[%get3A_286, %get3A_287] {strides = array<i32>} : memref<128x128xf32, #tpu.memory_space<vmem>>, vector<16xf32>,
        %swap3A_289 = arith.index_cast %add3A_279 : i32 to index
        %swap3A_290 = arith.constant 16 : index
        %swap3A_291 = tpu.vector_load %arg11[%swap3A_289, %swap3A_290] {strides = array<i32>} : memref<128x50xf32, #tpu.memory_space<vmem>>, vector<16xf32>,
        tpu.vector_store %arg11[%swap3A_289, %swap3A_290], %get3A_288 {strides = array<i32>} : memref<128x50xf32, #tpu.memory_space<vmem>>, vector<16xf32>,
        %get3A_292 = arith.index_cast %add3A_279 : i32 to index
        %get3A_293 = arith.constant 32 : index
        %get3A_294 = tpu.vector_load %arg8[%get3A_292, %get3A_293] {strides = array<i32>} : memref<128x128xf32, #tpu.memory_space<vmem>>, vector<16xf32>,
        %swap3A_295 = arith.index_cast %add3A_279 : i32 to index
        %swap3A_296 = arith.constant 32 : index
        %swap3A_297 = tpu.vector_load %arg11[%swap3A_295, %swap3A_296] {strides = array<i32>} : memref<128x50xf32, #tpu.memory_space<vmem>>, vector<16xf32>,
        tpu.vector_store %arg11[%swap3A_295, %swap3A_296], %get3A_294 {strides = array<i32>} : memref<128x50xf32, #tpu.memory_space<vmem>>, vector<16xf32>,
        %get3A_298 = arith.index_cast %add3A_279 : i32 to index
        %get3A_299 = arith.constant 34 : index
        %get3A_300 = tpu.vector_load %arg8[%get3A_298, %get3A_299] {strides = array<i32>} : memref<128x128xf32, #tpu.memory_space<vmem>>, vector<16xf32>,
        %swap3A_301 = arith.index_cast %add3A_279 : i32 to index
        %swap3A_302 = arith.constant 34 : index
        %swap3A_303 = tpu.vector_load %arg11[%swap3A_301, %swap3A_302] {strides = array<i32>} : memref<128x50xf32, #tpu.memory_space<vmem>>, vector<16xf32>,
        tpu.vector_store %arg11[%swap3A_301, %swap3A_302], %get3A_300 {strides = array<i32>} : memref<128x50xf32, #tpu.memory_space<vmem>>, vector<16xf32>,
        %mul3A_304 = arith.constant 4 : i32
        %mul3A_305 = arith.muli %scan3A_221, %mul3A_304 : i32
        %add3A_306 = arith.constant 3 : i32
        %add3A_307 = arith.addi %mul3A_305, %add3A_306 : i32
        %get3A_308 = arith.index_cast %add3A_307 : i32 to index
        %get3A_309 = arith.constant 0 : index
        %get3A_310 = tpu.vector_load %arg8[%get3A_308, %get3A_309] {strides = array<i32>} : memref<128x128xf32, #tpu.memory_space<vmem>>, vector<16xf32>,
        %swap3A_311 = arith.index_cast %add3A_307 : i32 to index
        %swap3A_312 = arith.constant 0 : index
        %swap3A_313 = tpu.vector_load %arg11[%swap3A_311, %swap3A_312] {strides = array<i32>} : memref<128x50xf32, #tpu.memory_space<vmem>>, vector<16xf32>,
        tpu.vector_store %arg11[%swap3A_311, %swap3A_312], %get3A_310 {strides = array<i32>} : memref<128x50xf32, #tpu.memory_space<vmem>>, vector<16xf32>,
        %get3A_314 = arith.index_cast %add3A_307 : i32 to index
        %get3A_315 = arith.constant 16 : index
        %get3A_316 = tpu.vector_load %arg8[%get3A_314, %get3A_315] {strides = array<i32>} : memref<128x128xf32, #tpu.memory_space<vmem>>, vector<16xf32>,
        %swap3A_317 = arith.index_cast %add3A_307 : i32 to index
        %swap3A_318 = arith.constant 16 : index
        %swap3A_319 = tpu.vector_load %arg11[%swap3A_317, %swap3A_318] {strides = array<i32>} : memref<128x50xf32, #tpu.memory_space<vmem>>, vector<16xf32>,
        tpu.vector_store %arg11[%swap3A_317, %swap3A_318], %get3A_316 {strides = array<i32>} : memref<128x50xf32, #tpu.memory_space<vmem>>, vector<16xf32>,
        %get3A_320 = arith.index_cast %add3A_307 : i32 to index
        %get3A_321 = arith.constant 32 : index
        %get3A_322 = tpu.vector_load %arg8[%get3A_320, %get3A_321] {strides = array<i32>} : memref<128x128xf32, #tpu.memory_space<vmem>>, vector<16xf32>,
        %swap3A_323 = arith.index_cast %add3A_307 : i32 to index
        %swap3A_324 = arith.constant 32 : index
        %swap3A_325 = tpu.vector_load %arg11[%swap3A_323, %swap3A_324] {strides = array<i32>} : memref<128x50xf32, #tpu.memory_space<vmem>>, vector<16xf32>,
        tpu.vector_store %arg11[%swap3A_323, %swap3A_324], %get3A_322 {strides = array<i32>} : memref<128x50xf32, #tpu.memory_space<vmem>>, vector<16xf32>,
        %get3A_326 = arith.index_cast %add3A_307 : i32 to index
        %get3A_327 = arith.constant 34 : index
        %get3A_328 = tpu.vector_load %arg8[%get3A_326, %get3A_327] {strides = array<i32>} : memref<128x128xf32, #tpu.memory_space<vmem>>, vector<16xf32>,
        %swap3A_329 = arith.index_cast %add3A_307 : i32 to index
        %swap3A_330 = arith.constant 34 : index
        %swap3A_331 = tpu.vector_load %arg11[%swap3A_329, %swap3A_330] {strides = array<i32>} : memref<128x50xf32, #tpu.memory_space<vmem>>, vector<16xf32>,
        tpu.vector_store %arg11[%swap3A_329, %swap3A_330], %get3A_328 {strides = array<i32>} : memref<128x50xf32, #tpu.memory_space<vmem>>, vector<16xf32>,
      }
      %scan3A_213 = arith.constant 32 : i32
      %mul3A_214 = arith.constant 128 : i32
      %mul3A_215 = arith.muli %add3A_181, %mul3A_214 : i32
      %add3A_216 = arith.addi %mul3A_2, %mul3A_215 : i32
      %dma_start3A_217 = arith.constant 0 : i32
      %dma_start3A_218 = tpu.memref_slice %arg4[%add3A_216, %dma_start3A_217] : memref<819200x50xf32, #tpu.memory_space<hbm>> -> memref<128x50xf32, #tpu.memory_space<hbm>>
      %dma_start3A_219 = arith.constant 0 : i32
      %dma_start3A_220 = tpu.memref_slice %arg4[%add3A_216, %dma_start3A_219] : memref<819200x50xf32, #tpu.memory_space<hbm>> -> memref<128x50xf32, #tpu.memory_space<hbm>>
      tpu.enqueue_dma source(%arg11 : memref<128x50xf32, #tpu.memory_space<vmem>>) target(%dma_start3A_220 : memref<128x50xf32, #tpu.memory_space<hbm>>) target_semaphore(%arg17 : memref<!tpu.dma_semaphore, #tpu.memory_space<semaphore_mem>>)
    }
    %scan3A_28 = arith.constant 66 : i32
    %dma_wait3A = arith.constant 0 : i32
    %dma_wait3A_29 = arith.constant 0 : i32
    %dma_wait3A_30 = tpu.memref_slice %arg3[%dma_wait3A, %dma_wait3A_29] : memref<400000x128xf32, #tpu.memory_space<hbm>> -> memref<128x128xf32, #tpu.memory_space<hbm>>
    %dma_wait3A_31 = arith.constant 0 : i32
    %dma_wait3A_32 = arith.constant 0 : i32
    %dma_wait3A_33 = tpu.memref_slice %arg3[%dma_wait3A_31, %dma_wait3A_32] : memref<400000x128xf32, #tpu.memory_space<hbm>> -> memref<128x128xf32, #tpu.memory_space<hbm>>
    tpu.wait_dma2 semaphore(%arg12 : memref<!tpu.dma_semaphore, #tpu.memory_space<semaphore_mem>>) src(%dma_wait3A_33 : memref<128x128xf32, #tpu.memory_space<hbm>>) dst(%arg6 : memref<128x128xf32, #tpu.memory_space<vmem>>)
    %dma_wait3A_34 = arith.constant 0 : i32
    %dma_wait3A_35 = arith.constant 0 : i32
    %dma_wait3A_36 = tpu.memref_slice %arg4[%dma_wait3A_34, %dma_wait3A_35] : memref<819200x50xf32, #tpu.memory_space<hbm>> -> memref<128x50xf32, #tpu.memory_space<hbm>>
    %dma_wait3A_37 = arith.constant 0 : i32
    %dma_wait3A_38 = arith.constant 0 : i32
    %dma_wait3A_39 = tpu.memref_slice %arg4[%dma_wait3A_37, %dma_wait3A_38] : memref<819200x50xf32, #tpu.memory_space<hbm>> -> memref<128x50xf32, #tpu.memory_space<hbm>>
    tpu.wait_dma2 semaphore(%arg15 : memref<!tpu.dma_semaphore, #tpu.memory_space<semaphore_mem>>) src(%arg9 : memref<128x50xf32, #tpu.memory_space<vmem>>) dst(%dma_wait3A_39 : memref<128x50xf32, #tpu.memory_space<hbm>>)
    %scan3A_40 = arith.constant 0 : i32
    %scan3A_41 = arith.constant 0 : i32
    %scan3A_42 = arith.constant 32 : i32
    %scan3A_43 = arith.addi %scan3A_41, %scan3A_42 : i32
    %scan3A_44 = arith.constant 1 : i32
    scf.for %scan3A_94 = %scan3A_41 to %scan3A_43 step %scan3A_44  : i32 {
      %mul3A_95 = arith.constant 4 : i32
      %mul3A_96 = arith.muli %scan3A_94, %mul3A_95 : i32
      %add3A_97 = arith.constant 0 : i32
      %add3A_98 = arith.addi %mul3A_96, %add3A_97 : i32
      %get3A = arith.index_cast %add3A_98 : i32 to index
      %get3A_99 = arith.constant 0 : index
      %get3A_100 = tpu.vector_load %arg6[%get3A, %get3A_99] {strides = array<i32>} : memref<128x128xf32, #tpu.memory_space<vmem>>, vector<16xf32>,
      %swap3A = arith.index_cast %add3A_98 : i32 to index
      %swap3A_101 = arith.constant 0 : index
      %swap3A_102 = tpu.vector_load %arg9[%swap3A, %swap3A_101] {strides = array<i32>} : memref<128x50xf32, #tpu.memory_space<vmem>>, vector<16xf32>,
      tpu.vector_store %arg9[%swap3A, %swap3A_101], %get3A_100 {strides = array<i32>} : memref<128x50xf32, #tpu.memory_space<vmem>>, vector<16xf32>,
      %get3A_103 = arith.index_cast %add3A_98 : i32 to index
      %get3A_104 = arith.constant 16 : index
      %get3A_105 = tpu.vector_load %arg6[%get3A_103, %get3A_104] {strides = array<i32>} : memref<128x128xf32, #tpu.memory_space<vmem>>, vector<16xf32>,
      %swap3A_106 = arith.index_cast %add3A_98 : i32 to index
      %swap3A_107 = arith.constant 16 : index
      %swap3A_108 = tpu.vector_load %arg9[%swap3A_106, %swap3A_107] {strides = array<i32>} : memref<128x50xf32, #tpu.memory_space<vmem>>, vector<16xf32>,
      tpu.vector_store %arg9[%swap3A_106, %swap3A_107], %get3A_105 {strides = array<i32>} : memref<128x50xf32, #tpu.memory_space<vmem>>, vector<16xf32>,
      %get3A_109 = arith.index_cast %add3A_98 : i32 to index
      %get3A_110 = arith.constant 32 : index
      %get3A_111 = tpu.vector_load %arg6[%get3A_109, %get3A_110] {strides = array<i32>} : memref<128x128xf32, #tpu.memory_space<vmem>>, vector<16xf32>,
      %swap3A_112 = arith.index_cast %add3A_98 : i32 to index
      %swap3A_113 = arith.constant 32 : index
      %swap3A_114 = tpu.vector_load %arg9[%swap3A_112, %swap3A_113] {strides = array<i32>} : memref<128x50xf32, #tpu.memory_space<vmem>>, vector<16xf32>,
      tpu.vector_store %arg9[%swap3A_112, %swap3A_113], %get3A_111 {strides = array<i32>} : memref<128x50xf32, #tpu.memory_space<vmem>>, vector<16xf32>,
      %get3A_115 = arith.index_cast %add3A_98 : i32 to index
      %get3A_116 = arith.constant 34 : index
      %get3A_117 = tpu.vector_load %arg6[%get3A_115, %get3A_116] {strides = array<i32>} : memref<128x128xf32, #tpu.memory_space<vmem>>, vector<16xf32>,
      %swap3A_118 = arith.index_cast %add3A_98 : i32 to index
      %swap3A_119 = arith.constant 34 : index
      %swap3A_120 = tpu.vector_load %arg9[%swap3A_118, %swap3A_119] {strides = array<i32>} : memref<128x50xf32, #tpu.memory_space<vmem>>, vector<16xf32>,
      tpu.vector_store %arg9[%swap3A_118, %swap3A_119], %get3A_117 {strides = array<i32>} : memref<128x50xf32, #tpu.memory_space<vmem>>, vector<16xf32>,
      %mul3A_121 = arith.constant 4 : i32
      %mul3A_122 = arith.muli %scan3A_94, %mul3A_121 : i32
      %add3A_123 = arith.constant 1 : i32
      %add3A_124 = arith.addi %mul3A_122, %add3A_123 : i32
      %get3A_125 = arith.index_cast %add3A_124 : i32 to index
      %get3A_126 = arith.constant 0 : index
      %get3A_127 = tpu.vector_load %arg6[%get3A_125, %get3A_126] {strides = array<i32>} : memref<128x128xf32, #tpu.memory_space<vmem>>, vector<16xf32>,
      %swap3A_128 = arith.index_cast %add3A_124 : i32 to index
      %swap3A_129 = arith.constant 0 : index
      %swap3A_130 = tpu.vector_load %arg9[%swap3A_128, %swap3A_129] {strides = array<i32>} : memref<128x50xf32, #tpu.memory_space<vmem>>, vector<16xf32>,
      tpu.vector_store %arg9[%swap3A_128, %swap3A_129], %get3A_127 {strides = array<i32>} : memref<128x50xf32, #tpu.memory_space<vmem>>, vector<16xf32>,
      %get3A_131 = arith.index_cast %add3A_124 : i32 to index
      %get3A_132 = arith.constant 16 : index
      %get3A_133 = tpu.vector_load %arg6[%get3A_131, %get3A_132] {strides = array<i32>} : memref<128x128xf32, #tpu.memory_space<vmem>>, vector<16xf32>,
      %swap3A_134 = arith.index_cast %add3A_124 : i32 to index
      %swap3A_135 = arith.constant 16 : index
      %swap3A_136 = tpu.vector_load %arg9[%swap3A_134, %swap3A_135] {strides = array<i32>} : memref<128x50xf32, #tpu.memory_space<vmem>>, vector<16xf32>,
      tpu.vector_store %arg9[%swap3A_134, %swap3A_135], %get3A_133 {strides = array<i32>} : memref<128x50xf32, #tpu.memory_space<vmem>>, vector<16xf32>,
      %get3A_137 = arith.index_cast %add3A_124 : i32 to index
      %get3A_138 = arith.constant 32 : index
      %get3A_139 = tpu.vector_load %arg6[%get3A_137, %get3A_138] {strides = array<i32>} : memref<128x128xf32, #tpu.memory_space<vmem>>, vector<16xf32>,
      %swap3A_140 = arith.index_cast %add3A_124 : i32 to index
      %swap3A_141 = arith.constant 32 : index
      %swap3A_142 = tpu.vector_load %arg9[%swap3A_140, %swap3A_141] {strides = array<i32>} : memref<128x50xf32, #tpu.memory_space<vmem>>, vector<16xf32>,
      tpu.vector_store %arg9[%swap3A_140, %swap3A_141], %get3A_139 {strides = array<i32>} : memref<128x50xf32, #tpu.memory_space<vmem>>, vector<16xf32>,
      %get3A_143 = arith.index_cast %add3A_124 : i32 to index
      %get3A_144 = arith.constant 34 : index
      %get3A_145 = tpu.vector_load %arg6[%get3A_143, %get3A_144] {strides = array<i32>} : memref<128x128xf32, #tpu.memory_space<vmem>>, vector<16xf32>,
      %swap3A_146 = arith.index_cast %add3A_124 : i32 to index
      %swap3A_147 = arith.constant 34 : index
      %swap3A_148 = tpu.vector_load %arg9[%swap3A_146, %swap3A_147] {strides = array<i32>} : memref<128x50xf32, #tpu.memory_space<vmem>>, vector<16xf32>,
      tpu.vector_store %arg9[%swap3A_146, %swap3A_147], %get3A_145 {strides = array<i32>} : memref<128x50xf32, #tpu.memory_space<vmem>>, vector<16xf32>,
      %mul3A_149 = arith.constant 4 : i32
      %mul3A_150 = arith.muli %scan3A_94, %mul3A_149 : i32
      %add3A_151 = arith.constant 2 : i32
      %add3A_152 = arith.addi %mul3A_150, %add3A_151 : i32
      %get3A_153 = arith.index_cast %add3A_152 : i32 to index
      %get3A_154 = arith.constant 0 : index
      %get3A_155 = tpu.vector_load %arg6[%get3A_153, %get3A_154] {strides = array<i32>} : memref<128x128xf32, #tpu.memory_space<vmem>>, vector<16xf32>,
      %swap3A_156 = arith.index_cast %add3A_152 : i32 to index
      %swap3A_157 = arith.constant 0 : index
      %swap3A_158 = tpu.vector_load %arg9[%swap3A_156, %swap3A_157] {strides = array<i32>} : memref<128x50xf32, #tpu.memory_space<vmem>>, vector<16xf32>,
      tpu.vector_store %arg9[%swap3A_156, %swap3A_157], %get3A_155 {strides = array<i32>} : memref<128x50xf32, #tpu.memory_space<vmem>>, vector<16xf32>,
      %get3A_159 = arith.index_cast %add3A_152 : i32 to index
      %get3A_160 = arith.constant 16 : index
      %get3A_161 = tpu.vector_load %arg6[%get3A_159, %get3A_160] {strides = array<i32>} : memref<128x128xf32, #tpu.memory_space<vmem>>, vector<16xf32>,
      %swap3A_162 = arith.index_cast %add3A_152 : i32 to index
      %swap3A_163 = arith.constant 16 : index
      %swap3A_164 = tpu.vector_load %arg9[%swap3A_162, %swap3A_163] {strides = array<i32>} : memref<128x50xf32, #tpu.memory_space<vmem>>, vector<16xf32>,
      tpu.vector_store %arg9[%swap3A_162, %swap3A_163], %get3A_161 {strides = array<i32>} : memref<128x50xf32, #tpu.memory_space<vmem>>, vector<16xf32>,
      %get3A_165 = arith.index_cast %add3A_152 : i32 to index
      %get3A_166 = arith.constant 32 : index
      %get3A_167 = tpu.vector_load %arg6[%get3A_165, %get3A_166] {strides = array<i32>} : memref<128x128xf32, #tpu.memory_space<vmem>>, vector<16xf32>,
      %swap3A_168 = arith.index_cast %add3A_152 : i32 to index
      %swap3A_169 = arith.constant 32 : index
      %swap3A_170 = tpu.vector_load %arg9[%swap3A_168, %swap3A_169] {strides = array<i32>} : memref<128x50xf32, #tpu.memory_space<vmem>>, vector<16xf32>,
      tpu.vector_store %arg9[%swap3A_168, %swap3A_169], %get3A_167 {strides = array<i32>} : memref<128x50xf32, #tpu.memory_space<vmem>>, vector<16xf32>,
      %get3A_171 = arith.index_cast %add3A_152 : i32 to index
      %get3A_172 = arith.constant 34 : index
      %get3A_173 = tpu.vector_load %arg6[%get3A_171, %get3A_172] {strides = array<i32>} : memref<128x128xf32, #tpu.memory_space<vmem>>, vector<16xf32>,
      %swap3A_174 = arith.index_cast %add3A_152 : i32 to index
      %swap3A_175 = arith.constant 34 : index
      %swap3A_176 = tpu.vector_load %arg9[%swap3A_174, %swap3A_175] {strides = array<i32>} : memref<128x50xf32, #tpu.memory_space<vmem>>, vector<16xf32>,
      tpu.vector_store %arg9[%swap3A_174, %swap3A_175], %get3A_173 {strides = array<i32>} : memref<128x50xf32, #tpu.memory_space<vmem>>, vector<16xf32>,
      %mul3A_177 = arith.constant 4 : i32
      %mul3A_178 = arith.muli %scan3A_94, %mul3A_177 : i32
      %add3A_179 = arith.constant 3 : i32
      %add3A_180 = arith.addi %mul3A_178, %add3A_179 : i32
      %get3A_181 = arith.index_cast %add3A_180 : i32 to index
      %get3A_182 = arith.constant 0 : index
      %get3A_183 = tpu.vector_load %arg6[%get3A_181, %get3A_182] {strides = array<i32>} : memref<128x128xf32, #tpu.memory_space<vmem>>, vector<16xf32>,
      %swap3A_184 = arith.index_cast %add3A_180 : i32 to index
      %swap3A_185 = arith.constant 0 : index
      %swap3A_186 = tpu.vector_load %arg9[%swap3A_184, %swap3A_185] {strides = array<i32>} : memref<128x50xf32, #tpu.memory_space<vmem>>, vector<16xf32>,
      tpu.vector_store %arg9[%swap3A_184, %swap3A_185], %get3A_183 {strides = array<i32>} : memref<128x50xf32, #tpu.memory_space<vmem>>, vector<16xf32>,
      %get3A_187 = arith.index_cast %add3A_180 : i32 to index
      %get3A_188 = arith.constant 16 : index
      %get3A_189 = tpu.vector_load %arg6[%get3A_187, %get3A_188] {strides = array<i32>} : memref<128x128xf32, #tpu.memory_space<vmem>>, vector<16xf32>,
      %swap3A_190 = arith.index_cast %add3A_180 : i32 to index
      %swap3A_191 = arith.constant 16 : index
      %swap3A_192 = tpu.vector_load %arg9[%swap3A_190, %swap3A_191] {strides = array<i32>} : memref<128x50xf32, #tpu.memory_space<vmem>>, vector<16xf32>,
      tpu.vector_store %arg9[%swap3A_190, %swap3A_191], %get3A_189 {strides = array<i32>} : memref<128x50xf32, #tpu.memory_space<vmem>>, vector<16xf32>,
      %get3A_193 = arith.index_cast %add3A_180 : i32 to index
      %get3A_194 = arith.constant 32 : index
      %get3A_195 = tpu.vector_load %arg6[%get3A_193, %get3A_194] {strides = array<i32>} : memref<128x128xf32, #tpu.memory_space<vmem>>, vector<16xf32>,
      %swap3A_196 = arith.index_cast %add3A_180 : i32 to index
      %swap3A_197 = arith.constant 32 : index
      %swap3A_198 = tpu.vector_load %arg9[%swap3A_196, %swap3A_197] {strides = array<i32>} : memref<128x50xf32, #tpu.memory_space<vmem>>, vector<16xf32>,
      tpu.vector_store %arg9[%swap3A_196, %swap3A_197], %get3A_195 {strides = array<i32>} : memref<128x50xf32, #tpu.memory_space<vmem>>, vector<16xf32>,
      %get3A_199 = arith.index_cast %add3A_180 : i32 to index
      %get3A_200 = arith.constant 34 : index
      %get3A_201 = tpu.vector_load %arg6[%get3A_199, %get3A_200] {strides = array<i32>} : memref<128x128xf32, #tpu.memory_space<vmem>>, vector<16xf32>,
      %swap3A_202 = arith.index_cast %add3A_180 : i32 to index
      %swap3A_203 = arith.constant 34 : index
      %swap3A_204 = tpu.vector_load %arg9[%swap3A_202, %swap3A_203] {strides = array<i32>} : memref<128x50xf32, #tpu.memory_space<vmem>>, vector<16xf32>,
      tpu.vector_store %arg9[%swap3A_202, %swap3A_203], %get3A_201 {strides = array<i32>} : memref<128x50xf32, #tpu.memory_space<vmem>>, vector<16xf32>,
    }
    %scan3A_45 = arith.constant 32 : i32
    %add3A_46 = arith.constant 25344 : i32
    %add3A_47 = arith.addi %mul3A_2, %add3A_46 : i32
    %dma_start3A_48 = arith.constant 0 : i32
    %dma_start3A_49 = tpu.memref_slice %arg4[%add3A_47, %dma_start3A_48] : memref<819200x50xf32, #tpu.memory_space<hbm>> -> memref<128x50xf32, #tpu.memory_space<hbm>>
    %dma_start3A_50 = arith.constant 0 : i32
    %dma_start3A_51 = tpu.memref_slice %arg4[%add3A_47, %dma_start3A_50] : memref<819200x50xf32, #tpu.memory_space<hbm>> -> memref<128x50xf32, #tpu.memory_space<hbm>>
    tpu.enqueue_dma source(%arg9 : memref<128x50xf32, #tpu.memory_space<vmem>>) target(%dma_start3A_51 : memref<128x50xf32, #tpu.memory_space<hbm>>) target_semaphore(%arg15 : memref<!tpu.dma_semaphore, #tpu.memory_space<semaphore_mem>>)
    %dma_wait3A_52 = arith.constant 0 : i32
    %dma_wait3A_53 = arith.constant 0 : i32
    %dma_wait3A_54 = tpu.memref_slice %arg3[%dma_wait3A_52, %dma_wait3A_53] : memref<400000x128xf32, #tpu.memory_space<hbm>> -> memref<128x128xf32, #tpu.memory_space<hbm>>
    %dma_wait3A_55 = arith.constant 0 : i32
    %dma_wait3A_56 = arith.constant 0 : i32
    %dma_wait3A_57 = tpu.memref_slice %arg3[%dma_wait3A_55, %dma_wait3A_56] : memref<400000x128xf32, #tpu.memory_space<hbm>> -> memref<128x128xf32, #tpu.memory_space<hbm>>
    tpu.wait_dma2 semaphore(%arg13 : memref<!tpu.dma_semaphore, #tpu.memory_space<semaphore_mem>>) src(%dma_wait3A_57 : memref<128x128xf32, #tpu.memory_space<hbm>>) dst(%arg7 : memref<128x128xf32, #tpu.memory_space<vmem>>)
    %dma_wait3A_58 = arith.constant 0 : i32
    %dma_wait3A_59 = arith.constant 0 : i32
    %dma_wait3A_60 = tpu.memref_slice %arg4[%dma_wait3A_58, %dma_wait3A_59] : memref<819200x50xf32, #tpu.memory_space<hbm>> -> memref<128x50xf32, #tpu.memory_space<hbm>>
    %dma_wait3A_61 = arith.constant 0 : i32
    %dma_wait3A_62 = arith.constant 0 : i32
    %dma_wait3A_63 = tpu.memref_slice %arg4[%dma_wait3A_61, %dma_wait3A_62] : memref<819200x50xf32, #tpu.memory_space<hbm>> -> memref<128x50xf32, #tpu.memory_space<hbm>>
    tpu.wait_dma2 semaphore(%arg16 : memref<!tpu.dma_semaphore, #tpu.memory_space<semaphore_mem>>) src(%arg10 : memref<128x50xf32, #tpu.memory_space<vmem>>) dst(%dma_wait3A_63 : memref<128x50xf32, #tpu.memory_space<hbm>>)
    %scan3A_64 = arith.constant 0 : i32
    %scan3A_65 = arith.constant 0 : i32
    %scan3A_66 = arith.constant 32 : i32
    %scan3A_67 = arith.addi %scan3A_65, %scan3A_66 : i32
    %scan3A_68 = arith.constant 1 : i32
    scf.for %scan3A_94 = %scan3A_65 to %scan3A_67 step %scan3A_68  : i32 {
      %mul3A_95 = arith.constant 4 : i32
      %mul3A_96 = arith.muli %scan3A_94, %mul3A_95 : i32
      %add3A_97 = arith.constant 0 : i32
      %add3A_98 = arith.addi %mul3A_96, %add3A_97 : i32
      %get3A = arith.index_cast %add3A_98 : i32 to index
      %get3A_99 = arith.constant 0 : index
      %get3A_100 = tpu.vector_load %arg7[%get3A, %get3A_99] {strides = array<i32>} : memref<128x128xf32, #tpu.memory_space<vmem>>, vector<16xf32>,
      %swap3A = arith.index_cast %add3A_98 : i32 to index
      %swap3A_101 = arith.constant 0 : index
      %swap3A_102 = tpu.vector_load %arg10[%swap3A, %swap3A_101] {strides = array<i32>} : memref<128x50xf32, #tpu.memory_space<vmem>>, vector<16xf32>,
      tpu.vector_store %arg10[%swap3A, %swap3A_101], %get3A_100 {strides = array<i32>} : memref<128x50xf32, #tpu.memory_space<vmem>>, vector<16xf32>,
      %get3A_103 = arith.index_cast %add3A_98 : i32 to index
      %get3A_104 = arith.constant 16 : index
      %get3A_105 = tpu.vector_load %arg7[%get3A_103, %get3A_104] {strides = array<i32>} : memref<128x128xf32, #tpu.memory_space<vmem>>, vector<16xf32>,
      %swap3A_106 = arith.index_cast %add3A_98 : i32 to index
      %swap3A_107 = arith.constant 16 : index
      %swap3A_108 = tpu.vector_load %arg10[%swap3A_106, %swap3A_107] {strides = array<i32>} : memref<128x50xf32, #tpu.memory_space<vmem>>, vector<16xf32>,
      tpu.vector_store %arg10[%swap3A_106, %swap3A_107], %get3A_105 {strides = array<i32>} : memref<128x50xf32, #tpu.memory_space<vmem>>, vector<16xf32>,
      %get3A_109 = arith.index_cast %add3A_98 : i32 to index
      %get3A_110 = arith.constant 32 : index
      %get3A_111 = tpu.vector_load %arg7[%get3A_109, %get3A_110] {strides = array<i32>} : memref<128x128xf32, #tpu.memory_space<vmem>>, vector<16xf32>,
      %swap3A_112 = arith.index_cast %add3A_98 : i32 to index
      %swap3A_113 = arith.constant 32 : index
      %swap3A_114 = tpu.vector_load %arg10[%swap3A_112, %swap3A_113] {strides = array<i32>} : memref<128x50xf32, #tpu.memory_space<vmem>>, vector<16xf32>,
      tpu.vector_store %arg10[%swap3A_112, %swap3A_113], %get3A_111 {strides = array<i32>} : memref<128x50xf32, #tpu.memory_space<vmem>>, vector<16xf32>,
      %get3A_115 = arith.index_cast %add3A_98 : i32 to index
      %get3A_116 = arith.constant 34 : index
      %get3A_117 = tpu.vector_load %arg7[%get3A_115, %get3A_116] {strides = array<i32>} : memref<128x128xf32, #tpu.memory_space<vmem>>, vector<16xf32>,
      %swap3A_118 = arith.index_cast %add3A_98 : i32 to index
      %swap3A_119 = arith.constant 34 : index
      %swap3A_120 = tpu.vector_load %arg10[%swap3A_118, %swap3A_119] {strides = array<i32>} : memref<128x50xf32, #tpu.memory_space<vmem>>, vector<16xf32>,
      tpu.vector_store %arg10[%swap3A_118, %swap3A_119], %get3A_117 {strides = array<i32>} : memref<128x50xf32, #tpu.memory_space<vmem>>, vector<16xf32>,
      %mul3A_121 = arith.constant 4 : i32
      %mul3A_122 = arith.muli %scan3A_94, %mul3A_121 : i32
      %add3A_123 = arith.constant 1 : i32
      %add3A_124 = arith.addi %mul3A_122, %add3A_123 : i32
      %get3A_125 = arith.index_cast %add3A_124 : i32 to index
      %get3A_126 = arith.constant 0 : index
      %get3A_127 = tpu.vector_load %arg7[%get3A_125, %get3A_126] {strides = array<i32>} : memref<128x128xf32, #tpu.memory_space<vmem>>, vector<16xf32>,
      %swap3A_128 = arith.index_cast %add3A_124 : i32 to index
      %swap3A_129 = arith.constant 0 : index
      %swap3A_130 = tpu.vector_load %arg10[%swap3A_128, %swap3A_129] {strides = array<i32>} : memref<128x50xf32, #tpu.memory_space<vmem>>, vector<16xf32>,
      tpu.vector_store %arg10[%swap3A_128, %swap3A_129], %get3A_127 {strides = array<i32>} : memref<128x50xf32, #tpu.memory_space<vmem>>, vector<16xf32>,
      %get3A_131 = arith.index_cast %add3A_124 : i32 to index
      %get3A_132 = arith.constant 16 : index
      %get3A_133 = tpu.vector_load %arg7[%get3A_131, %get3A_132] {strides = array<i32>} : memref<128x128xf32, #tpu.memory_space<vmem>>, vector<16xf32>,
      %swap3A_134 = arith.index_cast %add3A_124 : i32 to index
      %swap3A_135 = arith.constant 16 : index
      %swap3A_136 = tpu.vector_load %arg10[%swap3A_134, %swap3A_135] {strides = array<i32>} : memref<128x50xf32, #tpu.memory_space<vmem>>, vector<16xf32>,
      tpu.vector_store %arg10[%swap3A_134, %swap3A_135], %get3A_133 {strides = array<i32>} : memref<128x50xf32, #tpu.memory_space<vmem>>, vector<16xf32>,
      %get3A_137 = arith.index_cast %add3A_124 : i32 to index
      %get3A_138 = arith.constant 32 : index
      %get3A_139 = tpu.vector_load %arg7[%get3A_137, %get3A_138] {strides = array<i32>} : memref<128x128xf32, #tpu.memory_space<vmem>>, vector<16xf32>,
      %swap3A_140 = arith.index_cast %add3A_124 : i32 to index
      %swap3A_141 = arith.constant 32 : index
      %swap3A_142 = tpu.vector_load %arg10[%swap3A_140, %swap3A_141] {strides = array<i32>} : memref<128x50xf32, #tpu.memory_space<vmem>>, vector<16xf32>,
      tpu.vector_store %arg10[%swap3A_140, %swap3A_141], %get3A_139 {strides = array<i32>} : memref<128x50xf32, #tpu.memory_space<vmem>>, vector<16xf32>,
      %get3A_143 = arith.index_cast %add3A_124 : i32 to index
      %get3A_144 = arith.constant 34 : index
      %get3A_145 = tpu.vector_load %arg7[%get3A_143, %get3A_144] {strides = array<i32>} : memref<128x128xf32, #tpu.memory_space<vmem>>, vector<16xf32>,
      %swap3A_146 = arith.index_cast %add3A_124 : i32 to index
      %swap3A_147 = arith.constant 34 : index
      %swap3A_148 = tpu.vector_load %arg10[%swap3A_146, %swap3A_147] {strides = array<i32>} : memref<128x50xf32, #tpu.memory_space<vmem>>, vector<16xf32>,
      tpu.vector_store %arg10[%swap3A_146, %swap3A_147], %get3A_145 {strides = array<i32>} : memref<128x50xf32, #tpu.memory_space<vmem>>, vector<16xf32>,
      %mul3A_149 = arith.constant 4 : i32
      %mul3A_150 = arith.muli %scan3A_94, %mul3A_149 : i32
      %add3A_151 = arith.constant 2 : i32
      %add3A_152 = arith.addi %mul3A_150, %add3A_151 : i32
      %get3A_153 = arith.index_cast %add3A_152 : i32 to index
      %get3A_154 = arith.constant 0 : index
      %get3A_155 = tpu.vector_load %arg7[%get3A_153, %get3A_154] {strides = array<i32>} : memref<128x128xf32, #tpu.memory_space<vmem>>, vector<16xf32>,
      %swap3A_156 = arith.index_cast %add3A_152 : i32 to index
      %swap3A_157 = arith.constant 0 : index
      %swap3A_158 = tpu.vector_load %arg10[%swap3A_156, %swap3A_157] {strides = array<i32>} : memref<128x50xf32, #tpu.memory_space<vmem>>, vector<16xf32>,
      tpu.vector_store %arg10[%swap3A_156, %swap3A_157], %get3A_155 {strides = array<i32>} : memref<128x50xf32, #tpu.memory_space<vmem>>, vector<16xf32>,
      %get3A_159 = arith.index_cast %add3A_152 : i32 to index
      %get3A_160 = arith.constant 16 : index
      %get3A_161 = tpu.vector_load %arg7[%get3A_159, %get3A_160] {strides = array<i32>} : memref<128x128xf32, #tpu.memory_space<vmem>>, vector<16xf32>,
      %swap3A_162 = arith.index_cast %add3A_152 : i32 to index
      %swap3A_163 = arith.constant 16 : index
      %swap3A_164 = tpu.vector_load %arg10[%swap3A_162, %swap3A_163] {strides = array<i32>} : memref<128x50xf32, #tpu.memory_space<vmem>>, vector<16xf32>,
      tpu.vector_store %arg10[%swap3A_162, %swap3A_163], %get3A_161 {strides = array<i32>} : memref<128x50xf32, #tpu.memory_space<vmem>>, vector<16xf32>,
      %get3A_165 = arith.index_cast %add3A_152 : i32 to index
      %get3A_166 = arith.constant 32 : index
      %get3A_167 = tpu.vector_load %arg7[%get3A_165, %get3A_166] {strides = array<i32>} : memref<128x128xf32, #tpu.memory_space<vmem>>, vector<16xf32>,
      %swap3A_168 = arith.index_cast %add3A_152 : i32 to index
      %swap3A_169 = arith.constant 32 : index
      %swap3A_170 = tpu.vector_load %arg10[%swap3A_168, %swap3A_169] {strides = array<i32>} : memref<128x50xf32, #tpu.memory_space<vmem>>, vector<16xf32>,
      tpu.vector_store %arg10[%swap3A_168, %swap3A_169], %get3A_167 {strides = array<i32>} : memref<128x50xf32, #tpu.memory_space<vmem>>, vector<16xf32>,
      %get3A_171 = arith.index_cast %add3A_152 : i32 to index
      %get3A_172 = arith.constant 34 : index
      %get3A_173 = tpu.vector_load %arg7[%get3A_171, %get3A_172] {strides = array<i32>} : memref<128x128xf32, #tpu.memory_space<vmem>>, vector<16xf32>,
      %swap3A_174 = arith.index_cast %add3A_152 : i32 to index
      %swap3A_175 = arith.constant 34 : index
      %swap3A_176 = tpu.vector_load %arg10[%swap3A_174, %swap3A_175] {strides = array<i32>} : memref<128x50xf32, #tpu.memory_space<vmem>>, vector<16xf32>,
      tpu.vector_store %arg10[%swap3A_174, %swap3A_175], %get3A_173 {strides = array<i32>} : memref<128x50xf32, #tpu.memory_space<vmem>>, vector<16xf32>,
      %mul3A_177 = arith.constant 4 : i32
      %mul3A_178 = arith.muli %scan3A_94, %mul3A_177 : i32
      %add3A_179 = arith.constant 3 : i32
      %add3A_180 = arith.addi %mul3A_178, %add3A_179 : i32
      %get3A_181 = arith.index_cast %add3A_180 : i32 to index
      %get3A_182 = arith.constant 0 : index
      %get3A_183 = tpu.vector_load %arg7[%get3A_181, %get3A_182] {strides = array<i32>} : memref<128x128xf32, #tpu.memory_space<vmem>>, vector<16xf32>,
      %swap3A_184 = arith.index_cast %add3A_180 : i32 to index
      %swap3A_185 = arith.constant 0 : index
      %swap3A_186 = tpu.vector_load %arg10[%swap3A_184, %swap3A_185] {strides = array<i32>} : memref<128x50xf32, #tpu.memory_space<vmem>>, vector<16xf32>,
      tpu.vector_store %arg10[%swap3A_184, %swap3A_185], %get3A_183 {strides = array<i32>} : memref<128x50xf32, #tpu.memory_space<vmem>>, vector<16xf32>,
      %get3A_187 = arith.index_cast %add3A_180 : i32 to index
      %get3A_188 = arith.constant 16 : index
      %get3A_189 = tpu.vector_load %arg7[%get3A_187, %get3A_188] {strides = array<i32>} : memref<128x128xf32, #tpu.memory_space<vmem>>, vector<16xf32>,
      %swap3A_190 = arith.index_cast %add3A_180 : i32 to index
      %swap3A_191 = arith.constant 16 : index
      %swap3A_192 = tpu.vector_load %arg10[%swap3A_190, %swap3A_191] {strides = array<i32>} : memref<128x50xf32, #tpu.memory_space<vmem>>, vector<16xf32>,
      tpu.vector_store %arg10[%swap3A_190, %swap3A_191], %get3A_189 {strides = array<i32>} : memref<128x50xf32, #tpu.memory_space<vmem>>, vector<16xf32>,
      %get3A_193 = arith.index_cast %add3A_180 : i32 to index
      %get3A_194 = arith.constant 32 : index
      %get3A_195 = tpu.vector_load %arg7[%get3A_193, %get3A_194] {strides = array<i32>} : memref<128x128xf32, #tpu.memory_space<vmem>>, vector<16xf32>,
      %swap3A_196 = arith.index_cast %add3A_180 : i32 to index
      %swap3A_197 = arith.constant 32 : index
      %swap3A_198 = tpu.vector_load %arg10[%swap3A_196, %swap3A_197] {strides = array<i32>} : memref<128x50xf32, #tpu.memory_space<vmem>>, vector<16xf32>,
      tpu.vector_store %arg10[%swap3A_196, %swap3A_197], %get3A_195 {strides = array<i32>} : memref<128x50xf32, #tpu.memory_space<vmem>>, vector<16xf32>,
      %get3A_199 = arith.index_cast %add3A_180 : i32 to index
      %get3A_200 = arith.constant 34 : index
      %get3A_201 = tpu.vector_load %arg7[%get3A_199, %get3A_200] {strides = array<i32>} : memref<128x128xf32, #tpu.memory_space<vmem>>, vector<16xf32>,
      %swap3A_202 = arith.index_cast %add3A_180 : i32 to index
      %swap3A_203 = arith.constant 34 : index
      %swap3A_204 = tpu.vector_load %arg10[%swap3A_202, %swap3A_203] {strides = array<i32>} : memref<128x50xf32, #tpu.memory_space<vmem>>, vector<16xf32>,
      tpu.vector_store %arg10[%swap3A_202, %swap3A_203], %get3A_201 {strides = array<i32>} : memref<128x50xf32, #tpu.memory_space<vmem>>, vector<16xf32>,
    }
    %scan3A_69 = arith.constant 32 : i32
    %add3A_70 = arith.constant 25472 : i32
    %add3A_71 = arith.addi %mul3A_2, %add3A_70 : i32
    %dma_start3A_72 = arith.constant 0 : i32
    %dma_start3A_73 = tpu.memref_slice %arg4[%add3A_71, %dma_start3A_72] : memref<819200x50xf32, #tpu.memory_space<hbm>> -> memref<128x50xf32, #tpu.memory_space<hbm>>
    %dma_start3A_74 = arith.constant 0 : i32
    %dma_start3A_75 = tpu.memref_slice %arg4[%add3A_71, %dma_start3A_74] : memref<819200x50xf32, #tpu.memory_space<hbm>> -> memref<128x50xf32, #tpu.memory_space<hbm>>
    tpu.enqueue_dma source(%arg10 : memref<128x50xf32, #tpu.memory_space<vmem>>) target(%dma_start3A_75 : memref<128x50xf32, #tpu.memory_space<hbm>>) target_semaphore(%arg16 : memref<!tpu.dma_semaphore, #tpu.memory_space<semaphore_mem>>)
    %dma_wait3A_76 = arith.constant 0 : i32
    %dma_wait3A_77 = arith.constant 0 : i32
    %dma_wait3A_78 = tpu.memref_slice %arg4[%dma_wait3A_76, %dma_wait3A_77] : memref<819200x50xf32, #tpu.memory_space<hbm>> -> memref<128x50xf32, #tpu.memory_space<hbm>>
    %dma_wait3A_79 = arith.constant 0 : i32
    %dma_wait3A_80 = arith.constant 0 : i32
    %dma_wait3A_81 = tpu.memref_slice %arg4[%dma_wait3A_79, %dma_wait3A_80] : memref<819200x50xf32, #tpu.memory_space<hbm>> -> memref<128x50xf32, #tpu.memory_space<hbm>>
    tpu.wait_dma2 semaphore(%arg15 : memref<!tpu.dma_semaphore, #tpu.memory_space<semaphore_mem>>) src(%arg9 : memref<128x50xf32, #tpu.memory_space<vmem>>) dst(%dma_wait3A_81 : memref<128x50xf32, #tpu.memory_space<hbm>>)
    %dma_wait3A_82 = arith.constant 0 : i32
    %dma_wait3A_83 = arith.constant 0 : i32
    %dma_wait3A_84 = tpu.memref_slice %arg4[%dma_wait3A_82, %dma_wait3A_83] : memref<819200x50xf32, #tpu.memory_space<hbm>> -> memref<128x50xf32, #tpu.memory_space<hbm>>
    %dma_wait3A_85 = arith.constant 0 : i32
    %dma_wait3A_86 = arith.constant 0 : i32
    %dma_wait3A_87 = tpu.memref_slice %arg4[%dma_wait3A_85, %dma_wait3A_86] : memref<819200x50xf32, #tpu.memory_space<hbm>> -> memref<128x50xf32, #tpu.memory_space<hbm>>
    tpu.wait_dma2 semaphore(%arg16 : memref<!tpu.dma_semaphore, #tpu.memory_space<semaphore_mem>>) src(%arg10 : memref<128x50xf32, #tpu.memory_space<vmem>>) dst(%dma_wait3A_87 : memref<128x50xf32, #tpu.memory_space<hbm>>)
    %dma_wait3A_88 = arith.constant 0 : i32
    %dma_wait3A_89 = arith.constant 0 : i32
    %dma_wait3A_90 = tpu.memref_slice %arg4[%dma_wait3A_88, %dma_wait3A_89] : memref<819200x50xf32, #tpu.memory_space<hbm>> -> memref<128x50xf32, #tpu.memory_space<hbm>>
    %dma_wait3A_91 = arith.constant 0 : i32
    %dma_wait3A_92 = arith.constant 0 : i32
    %dma_wait3A_93 = tpu.memref_slice %arg4[%dma_wait3A_91, %dma_wait3A_92] : memref<819200x50xf32, #tpu.memory_space<hbm>> -> memref<128x50xf32, #tpu.memory_space<hbm>>
    tpu.wait_dma2 semaphore(%arg17 : memref<!tpu.dma_semaphore, #tpu.memory_space<semaphore_mem>>) src(%arg11 : memref<128x50xf32, #tpu.memory_space<vmem>>) dst(%dma_wait3A_93 : memref<128x50xf32, #tpu.memory_space<hbm>>)
    return
  }
}

</mosaic_0001>

<sc_bundles>
// kernel: kernel.3.cloned.1.call-start
scs
__scs_entry_jumppad:
0x0: {  	(pc) =	sbr.rel $0x88, $3  }
0x1: {  	(tag) =	ssettag $0x0;
	lr =	simm.s32 $0x1  }
0x2: {  	[smem:$0x3F9F] =	sst lr;
	_ =	strace $0xD0000000  }
0x3: {  	_ = 	snop  }
0x4: {  	_ = 	snop  }
0x5: {  	_ = 	snop  }
0x6: {  	_ = 	snop  }
0x7: {  	_ = 	snop  }
__scs_overlays_trampoline_lowered:
0x8: {  	[smem:$0x3FAE] =	sst s0  }
0x9: {  	[smem:$0x3FAF] =	sst s1  }
0xa: {  	[smem:$0x3FB0] =	sst s2  }
0xb: {  	[smem:$0x3FB1] =	sst s3  }
0xc: {  	[smem:$0x3FB2] =	sst s4  }
0xd: {  	[smem:$0x3FB3] =	sst s5  }
0xe: {  	[smem:$0x3FB4] =	sst s6  }
0xf: {  	[smem:$0x3FB5] =	sst s7  }
0x10: {  	[smem:$0x3FB6] =	sst s8  }
0x11: {  	[smem:$0x3FB7] =	sst s9;
	s0 =	simm.s32 @!p0 $0x0  }
0x12: {  	s1 =	sld [smem:$0x3F9D];
	s0 =	simm.s32 @p0 $0x1  }
0x13: {  	[smem:$0x3FB8] =	sst s0;
	s0 =	simm.s32 @!p1 $0x0  }
0x14: {  	s2 =	sld [smem:$0x3F9C];
	s0 =	simm.s32 @p1 $0x1  }
0x15: {  	[smem:$0x3FB9] =	sst s0;
	s0 =	simm.s32 @!p2 $0x0  }
0x16: {  	s3 =	sld [smem:$0x3FDB];
	s0 =	simm.s32 @p2 $0x1  }
0x17: {  	s4 =	simm.s32 $0x1BF5;
	[smem:$0x3FBB] =	sst s0  }
0x18: {  	s0 =	sld [smem:$0x3F9E];
	_ =	swait.ge [sflag:s4], $0x0  }
0x19: {  	s7 =	sld [smem:$0x3F9F]  }
0x1a: {  	s8 =	sadd.s32 $0xFFFFE003, lr  }
0x1b: {  	s9 =	sadd.s32 $0xFFFFFEF7, lr;
	s5 =	simm.s32 $0xFFFFFFFF;
	p2 =	slt.u32 s8, $0xFFFFF086  }
0x1c: {  	p1 =	slt.u32 s9, $0xF7A;
	s5 =	simm.s32 @!p2 $0x0  }
0x1d: {  	s5 =	simm.s32 @p1 $0x1;
	p0 =	seq.s32 s7, s2  }
0x1e: {  	s7 =	smul.u32 @!p0 $0xF7A, s2;
	p2 =	seq.s32 @!p0 s5, $0x0  }
0x1f: {  	s9 =	smul.u32 $0xF7A, s1;
	s8 =	simm.s32 @!p0 $0x1BF5;
	p2 =	por !p2, p0  }
0x20: {  	[sflag:s8] =	ssyncset.s32 @!p0 $0xFFFFF086;
	s6 =	sadd.s32 @!p0 s3, s7;
	s7 =	simm.s32 @!p0 $0x108  }
0x21: {  	s3 =	sadd.s32 s3, s9;
	s6 =	sadd.s32 @!p0 $0x88, s6;
	s7 =	simm.s32 @p2 $0x1082  }
0x22: {  	[simem:s7], [sflag:s8] =	dma.local @!p0 [hbm:s6], $0xF7A  }
0x23: {  	s9 =	sor.u32 $0xD0000000, s2;
	s6 =	simm.s32 $0x108;
	_ =	swait.ge @!p0 [sflag:s8], $0x0  }
0x24: {  	s3 =	sadd.s32 $0x88, s3;
	s6 =	simm.s32 @!p1 $0x1082;
	[sflag:s4] =	ssyncset.s32 $0xFFFFF086  }
0x25: {  	[simem:s6], [sflag:s4] =	dma.local [hbm:s3], $0xF7A  }
0x26: {  	[smem:$0x3F9F] =	sst s1;
	(tag) =	ssettag s2;
	_ =	strace s9  }
0x27: {  	s1 =	sld [smem:$0x3FAF]  }
0x28: {  	s2 =	sld [smem:$0x3FB0]  }
0x29: {  	s4 =	sld [smem:$0x3FB2]  }
0x2a: {  	p0 =	seq.s32 s5, $0x0;
	s5 =	sld [smem:$0x3FB3]  }
0x2b: {  	s6 =	sld [smem:$0x3FB4]  }
0x2c: {  	s7 =	sld [smem:$0x3FB5]  }
0x2d: {  	s3 =	simm.s32 $0x108;
	s8 =	sld [smem:$0x3FB6]  }
0x2e: {  	s3 =	simm.s32 @!p0 $0x1082;
	s9 =	sld [smem:$0x3FB7]  }
0x2f: {  	lr =	sadd.s32 s0, s3;
	s0 =	sld [smem:$0x3FAE]  }
0x30: {  	s3 =	sld [smem:$0x3FB1]  }
0x31: {  	[smem:$0x3FBA] =	sst s10  }
0x32: {  	s10 =	sld [smem:$0x3FB8];
	_ =	sdelay $0x3  }
0x33: {  	p0 =	seq.s32 s10, $0x1;
	s10 =	sld [smem:$0x3FBA];
	_ =	sdelay $0x3  }
0x34: {  	[smem:$0x3FBA] =	sst s10  }
0x35: {  	s10 =	sld [smem:$0x3FB9];
	_ =	sdelay $0x3  }
0x36: {  	p1 =	seq.s32 s10, $0x1;
	s10 =	sld [smem:$0x3FBA];
	_ =	sdelay $0x3  }
0x37: {  	[smem:$0x3FBA] =	sst s10  }
0x38: {  	s10 =	sld [smem:$0x3FBB]  }
0x39: {  	_ = 	snop;
	(pc) =	sbr.ind lr, $3  }
0x3a: {  	_ = 	snop  }
0x3b: {  	_ = 	snop  }
0x3c: {  	p2 =	seq.s32 s10, $0x1;
	s10 =	sld [smem:$0x3FBA]  }
0x3d: {  	_ =	shalt  }
0x3e: {  	_ =	shalt  }
0x3f: {  	_ =	shalt  }
0x40: {  	_ =	shalt  }
0x41: {  	_ =	shalt  }
0x42: {  	_ =	shalt  }
0x43: {  	_ =	shalt  }
0x44: {  	_ =	shalt  }
0x45: {  	_ =	shalt  }
0x46: {  	_ =	shalt  }
0x47: {  	_ =	shalt  }
0x48: {  	_ =	shalt  }
0x49: {  	_ =	shalt  }
0x4a: {  	_ =	shalt  }
0x4b: {  	_ =	shalt  }
0x4c: {  	_ =	shalt  }
0x4d: {  	_ =	shalt  }
0x4e: {  	_ =	shalt  }
0x4f: {  	_ =	shalt  }
0x50: {  	_ =	shalt  }
0x51: {  	_ =	shalt  }
0x52: {  	_ =	shalt  }
0x53: {  	_ =	shalt  }
0x54: {  	_ =	shalt  }
0x55: {  	_ =	shalt  }
0x56: {  	_ =	shalt  }
0x57: {  	_ =	shalt  }
0x58: {  	_ =	shalt  }
0x59: {  	_ =	shalt  }
0x5a: {  	_ =	shalt  }
0x5b: {  	_ =	shalt  }
0x5c: {  	_ =	shalt  }
0x5d: {  	_ =	shalt  }
0x5e: {  	_ =	shalt  }
0x5f: {  	_ =	shalt  }
0x60: {  	_ =	shalt  }
0x61: {  	_ =	shalt  }
0x62: {  	_ =	shalt  }
0x63: {  	_ =	shalt  }
0x64: {  	_ =	shalt  }
0x65: {  	_ =	shalt  }
0x66: {  	_ =	shalt  }
0x67: {  	_ =	shalt  }
0x68: {  	_ =	shalt  }
0x69: {  	_ =	shalt  }
0x6a: {  	_ =	shalt  }
0x6b: {  	_ =	shalt  }
0x6c: {  	_ =	shalt  }
0x6d: {  	_ =	shalt  }
0x6e: {  	_ =	shalt  }
0x6f: {  	_ =	shalt  }
0x70: {  	_ =	shalt  }
0x71: {  	_ =	shalt  }
0x72: {  	_ =	shalt  }
0x73: {  	_ =	shalt  }
0x74: {  	_ =	shalt  }
0x75: {  	_ =	shalt  }
0x76: {  	_ =	shalt  }
0x77: {  	_ =	shalt  }
0x78: {  	_ =	shalt  }
0x79: {  	_ =	shalt  }
0x7a: {  	_ =	shalt  }
0x7b: {  	_ =	shalt  }
0x7c: {  	_ =	shalt  }
0x7d: {  	_ =	shalt  }
0x7e: {  	_ =	shalt  }
0x7f: {  	_ =	shalt  }
0x80: {  	_ =	shalt  }
0x81: {  	_ =	shalt  }
0x82: {  	_ =	shalt  }
0x83: {  	_ =	shalt  }
0x84: {  	_ =	shalt  }
0x85: {  	_ =	shalt  }
0x86: {  	_ =	shalt  }
0x87: {  	_ =	shalt  }
.Lfunc_end0:
.L_simem_size_0:
called_computation.1_lowered:
.L_overlay_start_0:
0x88: {  	s2 =	sld [smem:$0x3FD9]  }
0x89: {  	s3 =	sld [smem:$0x3FFE];
	_ =	sdelay $0x1  }
0x8a: {  	s1 =	srdreg.scid  }
0x8b: {  	s0 =	sand.u32 $0x1, s1  }
0x8c: {  	s17 =	sshll.u32 s0, $0xA;
	s2 =	sadd.s32 s3, s2  }
0x8d: {  	s2 =	sadd.s32 s2, s17  }
0x8e: {  	[smem:$0x3FC6] =	sst s2  }
0x8f: {  	_ = 	snop  }
0x90: {  	s2 =	sld [smem:$0x3FD0];
	(tm) =	ssettm $0x1  }
0x91: {  	s18 =	sld [smem:$0x3FFB];
	_ =	sdelay $0x3  }
0x92: {  	_ =	strace s18  }
0x93: {  	s3 =	sld [smem:$0x3FFC];
	_ =	sdelay $0x3  }
0x94: {  	_ =	strace s3  }
0x95: {  	s3 =	sld [smem:$0x3FFD];
	_ =	sdelay $0x3  }
0x96: {  	_ =	strace s3  }
0x97: {  	_ =	strace $0x8FFFFFFF  }
0x98: {  	s19 =	sld [smem:$0x3FDB];
	_ =	sdelay $0x1  }
0x99: {  	s4 =	simm.s32 $_scs_section_size  }
0x9a: {  	s5 =	simm.s32 $_size__tile_overlayer_lowered;
	s6 =	simm.s32 $_tile_overlayer_lowered  }
0x9b: {  	s22 =	simm.s32 $0x1BFF;
	s21 =	sshll.u32 s6, $0x1;
	s3 =	sadd.s32 s4, s19  }
0x9c: {  	s7 =	simm.s32 $0x0;
	s20 =	sshll.u32 s5, $0x1;
	s5 =	sadd.s32 s21, s3  }
0x9d: {  	[timem:s7], [sflag:s22] =	dma.local [hbm:s5], s20  }
0x9e: {  	_ =	swait.ge [sflag:s22], s20  }
0x9f: {  	s4 =	ssub.s32 $0x0, s20;
	[sflag:s22] =	ssyncset.done $0x0  }
0xa0: {  	[sflag:s22] =	ssyncadd.s32 s4;
	_ =	sdelay $0x1  }
0xa1: {  	s23 =	simm.s32 $0x1B8B  }
0xa2: {  	_ =	swait.ge [sflag:s23], $0x1  }
0xa3: {  	[sflag:s23] =	ssyncset.done $0x0  }
0xa4: {  	s25 =	simm.s32 $0x1B8E;
	s24 =	sld [smem:$0x3FFE];
	[sflag:s23] =	ssyncadd.s32 $0xFFFFFFFF  }
0xa5: {  	s26 =	simm.s32 $execute0_lowered;
	[smem:$0x3FD2] =	sst s25  }
0xa6: {  	s5 =	sshll.u32 s26, $0x1;
	_ =	strace $0x80000046;
	[dreg:$0x1] =	wrdreg $0xFFFFFFFF  }
0xa7: {  	s28 =	simm.s32 $_size_execute0_lowered;
	s3 =	sadd.s32 s3, s5;
	[dreg:$0x0] =	wrdreg $0x0  }
0xa8: {  	s5 =	sshll.u32 s28, $0x1;
	[dreg:$0x2] =	wrdreg s3  }
0xa9: {  	[dreg:$0x3] =	wrdreg s5  }
0xaa: {  	[dreg:$0x4] =	wrdreg $0xC0  }
0xab: {  	_ =	task [dreg:s7], $0x5FFFF  }
0xac: {  	[dreg:$0x1] =	wrdreg $0xFFFFFFFF  }
0xad: {  	[dreg:$0x0] =	wrdreg $0x60  }
0xae: {  	[dreg:$0x2] =	wrdreg s2  }
0xaf: {  	[dreg:$0x3] =	wrdreg s24  }
0xb0: {  	[dreg:$0x4] =	wrdreg $0x9  }
0xb1: {  	_ =	task.clear_ibuf [dreg:s7], $0x5FFFF;
	_ =	strace $0x90000046  }
0xb2: {  	s29 =	simm.s32 $0x9;
	_ =	strace $0x80000048  }
0xb3: {  	_ =	swait.ge [sflag:s29], $0x1  }
0xb4: {  	[sflag:s29] =	ssyncadd.s32 $0xFFFFFFFF  }
0xb5: {  	_ =	strace $0x90000048  }
0xb6: {  	_ =	sfence  }
0xb7: {  	s30 =	sld [smem:$0x0];
	_ =	sdelay $0x2  }
0xb8: {  	s31 =	sshll.u32 s1, $0xD;
	s1 =	sshrl.u32 s1, $0x2  }
0xb9: {  	s3 =	sand.u32 $0x4000, s31;
	s1 =	sadd.s32 s1, s30  }
0xba: {  	s0 =	sor.u32 s3, s0;
	s1 =	sshll.u32 s1, $0x11  }
0xbb: {  	s0 =	sor.u32 s1, s0  }
0xbc: {  	s0 =	sadd.s32 $0x8F2B, s0  }
0xbd: {  	[sflag:s0] =	ssyncadd.remote.s32 $0x1  }
0xbe: {  	_ =	sfence.sel $0xFFFF  }
0xbf: {  	[dreg:$0x0] =	wrdreg $0xFFFFFFFF;
	(pc) =	sbr.abs _section_cstart, $3  }
0xc0: {  	[dreg:$0x1] =	wrdreg $0xFFFFFFFF  }
0xc1: {  	_ =	task.clear_ibuf [dreg:s7], $0x2FFFF;
	_ =	strace $0x9FFFFFFF  }
0xc2: {  	(tm) =	ssettm $0x7FFFFFFF  }
0xc3: {  	_ =	shalt  }
tec
execute0_lowered:
.L_overlay_start_1:
0x0: {  	(tag) =	ssettag $0x1  }
0x1: {  	s1 =	rddreg [dreg:$0x0];
	s2 =	srdreg.scid  }
0x2: {  	s0 =	stileid.u32;
	s5 =	rddreg [dreg:$0x1]  }
0x3: {  	s11 =	simm.s32 $0x7;
	s12 =	simm.s32 $0x80;
	s13 =	simm.s32 $0x6400  }
0x4: {  	s14 =	simm.s32 $0xA400;
	s15 =	simm.s32 $0x1;
	s16 =	simm.s32 $0xE400  }
0x5: {  	s17 =	simm.s32 $0x12400;
	s18 =	simm.s32 $0x2;
	s19 =	simm.s32 $0x16400  }
0x6: {  	s20 =	simm.s32 $0x3;
	s21 =	simm.s32 $0x1A400;
	s22 =	simm.s32 $0x4  }
0x7: {  	s23 =	simm.s32 $0x5;
	s4 =	sand.u32 $0x1, s2;
	s3 =	sshll.u32 s0, $0x1  }
0x8: {  	s24 =	simm.s32 $0x6;
	s2 =	simm.s32 $0x0;
	s6 =	sor.u32 s4, s3  }
0x9: {  	s25 =	simm.s32 $0x0;
	[smem:$0x7FF] =	sst s2;
	s3 =	smul.u32 $0x6400, s6  }
0xa: {  	s7 =	ssub.s32 $0x2, s4;
	s4 =	sadd.s32 $0x61B000, s5;
	s8 =	smul.u32 $0x320000, s6  }
0xb: {  	s5 =	sadd.s32 $0xC35800, s5;
	s9 =	sshrl.u32 s7, $0x1;
	s6 =	smul.u32 $0xC80, s6  }
0xc: {  	_ =	strace $0x80000047;
	s10 =	ssub.s32 s7, s9;
	s8 =	sshrl.u32 s8, $0x3  }
0xd: {  	s6 =	sadd.s32 s1, s6;
	s7 =	sor.u32 $0x80, s3;
	s31 =	sadd.s32 s5, s8  }
0xe: {  	s10 =	smax.u32 s10, $0x1;
	s8 =	sadd.s32 $0x63000, s31;
	s9 =	sadd.s32 $0x63800, s31  }
.LBB2_1:
0xf: {  	[tilespmem:s2], [sflag:$0x7] =	stream.linear.gather [hbm4b:s6+s2], $0x6400, $0x38;
	[tilespmem:$0x1E400] =	vst v63  }
0x10: {  	_ =	swait.ge [sflag:s11], $0x6400  }
0x11: {  	[sflag:s11] =	ssyncset.done $0x0  }
0x12: {  	[sflag:s11] =	ssyncadd.s32 $0xFFFF9C00  }
0x13: {  	[tilespmem:s13], [sflag:$0x1] =	stream.indirect.gather [hbm4b:s4+s12], $0x80, s2, s12, $0xb8;
	[tilespmem:$0x1E400] =	vst v63  }
0x14: {  	s26 =	simm.s32 $0x0  }
0x15: {  	[tilespmem:s14], [sflag:$0x2] =	stream.indirect.gather [hbm4b:s4+s12], $0x80, s12, s12, $0xb8;
	[tilespmem:$0x1E400] =	vst v63  }
.LBB2_2:
0x16: {  	_ =	swait.ge [sflag:s15], $0x4000;
	s29 =	smul.u32 $0x180, s26  }
0x17: {  	p0 =	seq.s32 s26, $0x0;
	[sflag:s15] =	ssyncset.done $0x0  }
0x18: {  	s1 =	simm.s32 @!p0 $0x4;
	[sflag:s15] =	ssyncadd.s32 $0xFFFFC000;
	s28 =	sadd.s32 $0x100, s29  }
0x19: {  	[tilespmem:s16], [sflag:$0x3] =	stream.indirect.gather [hbm4b:s4+s12], $0x80, s28, s12, $0xb8;
	[tilespmem:$0x1E400] =	vst v63  }
0x1a: {  	_ =	swait.ge @!p0 [sflag:s1], $0x4000  }
0x1b: {  	[sflag:s1] =	ssyncset.done @!p0 $0x0  }
0x1c: {  	s30 =	simm.s32 $0x0;
	[sflag:s1] =	ssyncadd.s32 @!p0 $0xFFFFC000  }
0x1d: {  	v2 =	vld [tilespmem:s30+$0x6420]  }
0x1e: {  	v3 =	vld [tilespmem:s30+$0x6422]  }
0x1f: {  	v4 =	vld [tilespmem:s30+$0x64A0]  }
0x20: {  	v1 =	vld [tilespmem:s30+$0x64A2]  }
0x21: {  	v0 =	vld [tilespmem:s30+$0x6520]  }
0x22: {  	[tilespmem:s30+$0x12420] =	vst v2;
	v2 =	vld [tilespmem:s30+$0x6522]  }
0x23: {  	s31 =	simm.s32 $0x800;
	[tilespmem:s30+$0x12422] =	vst v3;
	v3 =	vld [tilespmem:s30+$0x65A0]  }
.LBB2_3:
0x24: {  	p1 =	sne.s32 s31, $0xF800;
	[tilespmem:s30+$0x124A0] =	vst v4;
	v4 =	vld [tilespmem:s30+$0x65A2]  }
0x25: {  	v5 =	vld [tilespmem:s30+$0x6400];
	[tilespmem:s30+$0x124A2] =	vst v1  }
0x26: {  	v1 =	vld [tilespmem:s30+$0x6410];
	[tilespmem:s30+$0x12520] =	vst v0  }
0x27: {  	v0 =	vld [tilespmem:s30+$0x6480];
	[tilespmem:s30+$0x12522] =	vst v2  }
0x28: {  	v2 =	vld [tilespmem:s30+$0x6490];
	[tilespmem:s30+$0x125A0] =	vst v3  }
0x29: {  	v3 =	vld [tilespmem:s30+$0x6500];
	[tilespmem:s30+$0x125A2] =	vst v4  }
0x2a: {  	[tilespmem:s30+$0x12400] =	vst v5;
	v5 =	vld [tilespmem:s30+$0x6510]  }
0x2b: {  	[tilespmem:s30+$0x12410] =	vst v1;
	v6 =	vld [tilespmem:s30+$0x6580]  }
0x2c: {  	s1 =	sshra.s32 s31, $0x2;
	[tilespmem:s30+$0x12480] =	vst v0;
	v7 =	vld [tilespmem:s30+$0x6590]  }
0x2d: {  	v8 =	vld [tilespmem:s1+$0x6420];
	[tilespmem:s30+$0x12490] =	vst v2  }
0x2e: {  	v9 =	vld [tilespmem:s1+$0x6422];
	[tilespmem:s30+$0x12500] =	vst v3  }
.Ltmp0:
0x2f: {  	v4 =	vld [tilespmem:s1+$0x64A0];
	[tilespmem:s30+$0x12510] =	vst v5;
	(pc) =	sbr.rel @p1 .LBB2_3-.Ltmp0, $4  }
0x30: {  	v1 =	vld [tilespmem:s1+$0x64A2];
	[tilespmem:s30+$0x12580] =	vst v6  }
0x31: {  	v0 =	vld [tilespmem:s1+$0x6520];
	[tilespmem:s30+$0x12590] =	vst v7;
	s30 =	smov.u32 s1  }
0x32: {  	[tilespmem:s30+$0x12420] =	vst v8;
	v2 =	vld [tilespmem:s30+$0x6522]  }
0x33: {  	s31 =	sadd.s32 $0x800, s31;
	[tilespmem:s30+$0x12422] =	vst v9;
	v3 =	vld [tilespmem:s30+$0x65A0]  }
0x34: {  	[tilespmem:s30+$0x124A0] =	vst v4;
	v4 =	vld [tilespmem:s30+$0x65A2]  }
0x35: {  	v5 =	vld [tilespmem:s30+$0x6400];
	[tilespmem:s30+$0x124A2] =	vst v1  }
0x36: {  	v1 =	vld [tilespmem:s30+$0x6410];
	[tilespmem:s30+$0x12520] =	vst v0  }
0x37: {  	v0 =	vld [tilespmem:s30+$0x6480];
	[tilespmem:s30+$0x12522] =	vst v2  }
0x38: {  	v2 =	vld [tilespmem:s30+$0x6490];
	[tilespmem:s30+$0x125A0] =	vst v3  }
0x39: {  	v3 =	vld [tilespmem:s30+$0x6500];
	[tilespmem:s30+$0x125A2] =	vst v4  }
0x3a: {  	[tilespmem:s30+$0x12400] =	vst v5;
	v4 =	vld [tilespmem:s30+$0x6510]  }
0x3b: {  	[tilespmem:s30+$0x12410] =	vst v1;
	v1 =	vld [tilespmem:s30+$0x6580]  }
0x3c: {  	[tilespmem:s30+$0x12480] =	vst v0;
	v0 =	vld [tilespmem:s30+$0x6590]  }
0x3d: {  	[tilespmem:s30+$0x12490] =	vst v2  }
0x3e: {  	[tilespmem:s30+$0x12500] =	vst v3  }
0x3f: {  	s1 =	sadd.s32 s3, s29;
	[tilespmem:s30+$0x12510] =	vst v4  }
0x40: {  	s1 =	sshll.u32 s1, $0x4;
	[tilespmem:s30+$0x12580] =	vst v1  }
0x41: {  	s0 =	smul.u32 $0x600, s26;
	s1 =	sadd.s32 s5, s1;
	[tilespmem:s30+$0x12590] =	vst v0  }
0x42: {  	[hbm4b:s1+s2] =	stream.linear.scatter [tilespmem:s17], [sflag:$0x4], $0x4000, $0x38;
	[tilespmem:$0x1E400] =	vst v63  }
0x43: {  	_ =	swait.ge [sflag:s18], $0x4000  }
0x44: {  	s30 =	sshra.s32 s0, $0x2;
	[sflag:s18] =	ssyncset.done $0x0  }
0x45: {  	s1 =	sadd.s32 $0x180, s30;
	[sflag:s18] =	ssyncadd.s32 $0xFFFFC000  }
0x46: {  	[tilespmem:s13], [sflag:$0x1] =	stream.indirect.gather [hbm4b:s4+s12], $0x80, s1, s12, $0xb8;
	[tilespmem:$0x1E400] =	vst v63  }
0x47: {  	s1 =	simm.s32 @!p0 $0x5  }
0x48: {  	_ =	swait.ge @!p0 [sflag:s1], $0x4000  }
0x49: {  	[sflag:s1] =	ssyncset.done @!p0 $0x0  }
0x4a: {  	s31 =	simm.s32 $0x0;
	[sflag:s1] =	ssyncadd.s32 @!p0 $0xFFFFC000  }
0x4b: {  	v2 =	vld [tilespmem:s31+$0xA420]  }
0x4c: {  	v3 =	vld [tilespmem:s31+$0xA422]  }
0x4d: {  	v4 =	vld [tilespmem:s31+$0xA4A0]  }
0x4e: {  	v1 =	vld [tilespmem:s31+$0xA4A2]  }
0x4f: {  	v0 =	vld [tilespmem:s31+$0xA520]  }
0x50: {  	[tilespmem:s31+$0x16420] =	vst v2;
	v2 =	vld [tilespmem:s31+$0xA522]  }
0x51: {  	s1 =	simm.s32 $0x800;
	[tilespmem:s31+$0x16422] =	vst v3;
	v3 =	vld [tilespmem:s31+$0xA5A0]  }
.LBB2_5:
0x52: {  	p1 =	sne.s32 s1, $0xF800;
	[tilespmem:s31+$0x164A0] =	vst v4;
	v4 =	vld [tilespmem:s31+$0xA5A2]  }
0x53: {  	v5 =	vld [tilespmem:s31+$0xA400];
	[tilespmem:s31+$0x164A2] =	vst v1  }
0x54: {  	v1 =	vld [tilespmem:s31+$0xA410];
	[tilespmem:s31+$0x16520] =	vst v0  }
0x55: {  	v0 =	vld [tilespmem:s31+$0xA480];
	[tilespmem:s31+$0x16522] =	vst v2  }
0x56: {  	v2 =	vld [tilespmem:s31+$0xA490];
	[tilespmem:s31+$0x165A0] =	vst v3  }
0x57: {  	v3 =	vld [tilespmem:s31+$0xA500];
	[tilespmem:s31+$0x165A2] =	vst v4  }
0x58: {  	[tilespmem:s31+$0x16400] =	vst v5;
	v5 =	vld [tilespmem:s31+$0xA510]  }
0x59: {  	[tilespmem:s31+$0x16410] =	vst v1;
	v6 =	vld [tilespmem:s31+$0xA580]  }
0x5a: {  	s0 =	sshra.s32 s1, $0x2;
	[tilespmem:s31+$0x16480] =	vst v0;
	v7 =	vld [tilespmem:s31+$0xA590]  }
0x5b: {  	v8 =	vld [tilespmem:s0+$0xA420];
	[tilespmem:s31+$0x16490] =	vst v2  }
0x5c: {  	v9 =	vld [tilespmem:s0+$0xA422];
	[tilespmem:s31+$0x16500] =	vst v3  }
.Ltmp1:
0x5d: {  	v4 =	vld [tilespmem:s0+$0xA4A0];
	[tilespmem:s31+$0x16510] =	vst v5;
	(pc) =	sbr.rel @p1 .LBB2_5-.Ltmp1, $4  }
0x5e: {  	v1 =	vld [tilespmem:s0+$0xA4A2];
	[tilespmem:s31+$0x16580] =	vst v6  }
0x5f: {  	v0 =	vld [tilespmem:s0+$0xA520];
	[tilespmem:s31+$0x16590] =	vst v7;
	s31 =	smov.u32 s0  }
0x60: {  	[tilespmem:s31+$0x16420] =	vst v8;
	v2 =	vld [tilespmem:s31+$0xA522]  }
0x61: {  	s1 =	sadd.s32 $0x800, s1;
	[tilespmem:s31+$0x16422] =	vst v9;
	v3 =	vld [tilespmem:s31+$0xA5A0]  }
0x62: {  	[tilespmem:s31+$0x164A0] =	vst v4;
	v4 =	vld [tilespmem:s31+$0xA5A2]  }
0x63: {  	v5 =	vld [tilespmem:s31+$0xA400];
	[tilespmem:s31+$0x164A2] =	vst v1  }
0x64: {  	v1 =	vld [tilespmem:s31+$0xA410];
	[tilespmem:s31+$0x16520] =	vst v0  }
0x65: {  	v0 =	vld [tilespmem:s31+$0xA480];
	[tilespmem:s31+$0x16522] =	vst v2  }
0x66: {  	v2 =	vld [tilespmem:s31+$0xA490];
	[tilespmem:s31+$0x165A0] =	vst v3  }
0x67: {  	v3 =	vld [tilespmem:s31+$0xA500];
	[tilespmem:s31+$0x165A2] =	vst v4  }
0x68: {  	[tilespmem:s31+$0x16400] =	vst v5;
	v4 =	vld [tilespmem:s31+$0xA510]  }
0x69: {  	[tilespmem:s31+$0x16410] =	vst v1;
	v1 =	vld [tilespmem:s31+$0xA580]  }
0x6a: {  	[tilespmem:s31+$0x16480] =	vst v0;
	v0 =	vld [tilespmem:s31+$0xA590]  }
0x6b: {  	[tilespmem:s31+$0x16490] =	vst v2  }
0x6c: {  	[tilespmem:s31+$0x16500] =	vst v3  }
0x6d: {  	s0 =	sadd.s32 s29, s7;
	[tilespmem:s31+$0x16510] =	vst v4  }
0x6e: {  	s0 =	sshll.u32 s0, $0x4;
	[tilespmem:s31+$0x16580] =	vst v1  }
0x6f: {  	s0 =	sadd.s32 s5, s0;
	[tilespmem:s31+$0x16590] =	vst v0  }
0x70: {  	[hbm4b:s0+s2] =	stream.linear.scatter [tilespmem:s19], [sflag:$0x5], $0x4000, $0x38;
	[tilespmem:$0x1E400] =	vst v63  }
0x71: {  	_ =	swait.ge [sflag:s20], $0x4000  }
0x72: {  	[sflag:s20] =	ssyncset.done $0x0  }
0x73: {  	s31 =	sadd.s32 $0x200, s30;
	s0 =	simm.s32 @!p0 $0x6;
	[sflag:s20] =	ssyncadd.s32 $0xFFFFC000  }
0x74: {  	[tilespmem:s14], [sflag:$0x2] =	stream.indirect.gather [hbm4b:s4+s12], $0x80, s31, s12, $0xb8;
	[tilespmem:$0x1E400] =	vst v63  }
0x75: {  	_ =	swait.ge @!p0 [sflag:s0], $0x4000  }
0x76: {  	[sflag:s0] =	ssyncset.done @!p0 $0x0  }
0x77: {  	s29 =	simm.s32 $0x0;
	[sflag:s0] =	ssyncadd.s32 @!p0 $0xFFFFC000  }
0x78: {  	v2 =	vld [tilespmem:s29+$0xE420]  }
0x79: {  	v3 =	vld [tilespmem:s29+$0xE422]  }
0x7a: {  	v4 =	vld [tilespmem:s29+$0xE4A0]  }
0x7b: {  	v1 =	vld [tilespmem:s29+$0xE4A2]  }
0x7c: {  	v0 =	vld [tilespmem:s29+$0xE520]  }
0x7d: {  	[tilespmem:s29+$0x1A420] =	vst v2;
	v2 =	vld [tilespmem:s29+$0xE522]  }
0x7e: {  	s1 =	simm.s32 $0x800;
	[tilespmem:s29+$0x1A422] =	vst v3;
	v3 =	vld [tilespmem:s29+$0xE5A0]  }
.LBB2_7:
0x7f: {  	p0 =	sne.s32 s1, $0xF800;
	[tilespmem:s29+$0x1A4A0] =	vst v4;
	v4 =	vld [tilespmem:s29+$0xE5A2]  }
0x80: {  	v5 =	vld [tilespmem:s29+$0xE400];
	[tilespmem:s29+$0x1A4A2] =	vst v1  }
0x81: {  	v1 =	vld [tilespmem:s29+$0xE410];
	[tilespmem:s29+$0x1A520] =	vst v0  }
0x82: {  	v0 =	vld [tilespmem:s29+$0xE480];
	[tilespmem:s29+$0x1A522] =	vst v2  }
0x83: {  	v2 =	vld [tilespmem:s29+$0xE490];
	[tilespmem:s29+$0x1A5A0] =	vst v3  }
0x84: {  	v3 =	vld [tilespmem:s29+$0xE500];
	[tilespmem:s29+$0x1A5A2] =	vst v4  }
0x85: {  	[tilespmem:s29+$0x1A400] =	vst v5;
	v5 =	vld [tilespmem:s29+$0xE510]  }
0x86: {  	[tilespmem:s29+$0x1A410] =	vst v1;
	v6 =	vld [tilespmem:s29+$0xE580]  }
0x87: {  	s0 =	sshra.s32 s1, $0x2;
	[tilespmem:s29+$0x1A480] =	vst v0;
	v7 =	vld [tilespmem:s29+$0xE590]  }
0x88: {  	v8 =	vld [tilespmem:s0+$0xE420];
	[tilespmem:s29+$0x1A490] =	vst v2  }
0x89: {  	v9 =	vld [tilespmem:s0+$0xE422];
	[tilespmem:s29+$0x1A500] =	vst v3  }
.Ltmp2:
0x8a: {  	v4 =	vld [tilespmem:s0+$0xE4A0];
	[tilespmem:s29+$0x1A510] =	vst v5;
	(pc) =	sbr.rel @p0 .LBB2_7-.Ltmp2, $4  }
0x8b: {  	v1 =	vld [tilespmem:s0+$0xE4A2];
	[tilespmem:s29+$0x1A580] =	vst v6  }
0x8c: {  	v0 =	vld [tilespmem:s0+$0xE520];
	[tilespmem:s29+$0x1A590] =	vst v7;
	s29 =	smov.u32 s0  }
0x8d: {  	[tilespmem:s29+$0x1A420] =	vst v8;
	v2 =	vld [tilespmem:s29+$0xE522]  }
0x8e: {  	s1 =	sadd.s32 $0x800, s1;
	[tilespmem:s29+$0x1A422] =	vst v9;
	v3 =	vld [tilespmem:s29+$0xE5A0]  }
0x8f: {  	[tilespmem:s29+$0x1A4A0] =	vst v4;
	v56 =	vld [tilespmem:s29+$0xE5A2]  }
0x90: {  	v5 =	vld [tilespmem:s29+$0xE400];
	[tilespmem:s29+$0x1A4A2] =	vst v1  }
0x91: {  	v57 =	vld [tilespmem:s29+$0xE410];
	[tilespmem:s29+$0x1A520] =	vst v0  }
0x92: {  	v58 =	vld [tilespmem:s29+$0xE480];
	[tilespmem:s29+$0x1A522] =	vst v2  }
0x93: {  	v59 =	vld [tilespmem:s29+$0xE490];
	[tilespmem:s29+$0x1A5A0] =	vst v3  }
0x94: {  	v60 =	vld [tilespmem:s29+$0xE500];
	[tilespmem:s29+$0x1A5A2] =	vst v56  }
0x95: {  	v61 =	vld [tilespmem:s29+$0xE510];
	[tilespmem:s29+$0x1A400] =	vst v5  }
0x96: {  	v62 =	vld [tilespmem:s29+$0xE580];
	[tilespmem:s29+$0x1A410] =	vst v57  }
0x97: {  	v63 =	vld [tilespmem:s29+$0xE590];
	s26 =	sadd.s32 $0x1, s26;
	[tilespmem:s29+$0x1A480] =	vst v58  }
0x98: {  	p0 =	sne.s32 s26, $0x42;
	[tilespmem:s29+$0x1A490] =	vst v59  }
.Ltmp3:
0x99: {  	[tilespmem:s29+$0x1A500] =	vst v60;
	(pc) =	sbr.rel @p0 .LBB2_2-.Ltmp3, $4  }
0x9a: {  	s0 =	sadd.s32 s3, s28;
	[tilespmem:s29+$0x1A510] =	vst v61  }
0x9b: {  	s0 =	sshll.u32 s0, $0x4;
	[tilespmem:s29+$0x1A580] =	vst v62  }
0x9c: {  	s0 =	sadd.s32 s5, s0;
	[tilespmem:s29+$0x1A590] =	vst v63  }
0x9d: {  	[hbm4b:s0+s2] =	stream.linear.scatter [tilespmem:s21], [sflag:$0x6], $0x4000, $0x38;
	[tilespmem:$0x1E400] =	vst v63  }
0x9e: {  	_ =	swait.ge [sflag:s15], $0x4000  }
0x9f: {  	[sflag:s15] =	ssyncset.done $0x0  }
0xa0: {  	[sflag:s15] =	ssyncadd.s32 $0xFFFFC000  }
0xa1: {  	_ =	swait.ge [sflag:s22], $0x4000  }
0xa2: {  	[sflag:s22] =	ssyncset.done $0x0  }
0xa3: {  	s26 =	simm.s32 $0x0;
	[sflag:s22] =	ssyncadd.s32 $0xFFFFC000  }
0xa4: {  	v2 =	vld [tilespmem:s26+$0x6420]  }
0xa5: {  	v3 =	vld [tilespmem:s26+$0x6422]  }
0xa6: {  	v4 =	vld [tilespmem:s26+$0x64A0]  }
0xa7: {  	v1 =	vld [tilespmem:s26+$0x64A2]  }
0xa8: {  	v0 =	vld [tilespmem:s26+$0x6520]  }
0xa9: {  	[tilespmem:s26+$0x12420] =	vst v2;
	v2 =	vld [tilespmem:s26+$0x6522]  }
0xaa: {  	s1 =	simm.s32 $0x800;
	[tilespmem:s26+$0x12422] =	vst v3;
	v3 =	vld [tilespmem:s26+$0x65A0]  }
.LBB2_10:
0xab: {  	p0 =	sne.s32 s1, $0xF800;
	[tilespmem:s26+$0x124A0] =	vst v4;
	v4 =	vld [tilespmem:s26+$0x65A2]  }
0xac: {  	v5 =	vld [tilespmem:s26+$0x6400];
	[tilespmem:s26+$0x124A2] =	vst v1  }
0xad: {  	v1 =	vld [tilespmem:s26+$0x6410];
	[tilespmem:s26+$0x12520] =	vst v0  }
0xae: {  	v0 =	vld [tilespmem:s26+$0x6480];
	[tilespmem:s26+$0x12522] =	vst v2  }
0xaf: {  	v2 =	vld [tilespmem:s26+$0x6490];
	[tilespmem:s26+$0x125A0] =	vst v3  }
0xb0: {  	v3 =	vld [tilespmem:s26+$0x6500];
	[tilespmem:s26+$0x125A2] =	vst v4  }
0xb1: {  	[tilespmem:s26+$0x12400] =	vst v5;
	v5 =	vld [tilespmem:s26+$0x6510]  }
0xb2: {  	[tilespmem:s26+$0x12410] =	vst v1;
	v6 =	vld [tilespmem:s26+$0x6580]  }
0xb3: {  	s0 =	sshra.s32 s1, $0x2;
	[tilespmem:s26+$0x12480] =	vst v0;
	v7 =	vld [tilespmem:s26+$0x6590]  }
0xb4: {  	v8 =	vld [tilespmem:s0+$0x6420];
	[tilespmem:s26+$0x12490] =	vst v2  }
0xb5: {  	v9 =	vld [tilespmem:s0+$0x6422];
	[tilespmem:s26+$0x12500] =	vst v3  }
.Ltmp4:
0xb6: {  	v4 =	vld [tilespmem:s0+$0x64A0];
	[tilespmem:s26+$0x12510] =	vst v5;
	(pc) =	sbr.rel @p0 .LBB2_10-.Ltmp4, $4  }
0xb7: {  	v1 =	vld [tilespmem:s0+$0x64A2];
	[tilespmem:s26+$0x12580] =	vst v6  }
0xb8: {  	v0 =	vld [tilespmem:s0+$0x6520];
	[tilespmem:s26+$0x12590] =	vst v7;
	s26 =	smov.u32 s0  }
0xb9: {  	[tilespmem:s26+$0x12420] =	vst v8;
	v2 =	vld [tilespmem:s26+$0x6522]  }
0xba: {  	s1 =	sadd.s32 $0x800, s1;
	[tilespmem:s26+$0x12422] =	vst v9;
	v3 =	vld [tilespmem:s26+$0x65A0]  }
0xbb: {  	[tilespmem:s26+$0x124A0] =	vst v4;
	v4 =	vld [tilespmem:s26+$0x65A2]  }
0xbc: {  	v5 =	vld [tilespmem:s26+$0x6400];
	[tilespmem:s26+$0x124A2] =	vst v1  }
0xbd: {  	v1 =	vld [tilespmem:s26+$0x6410];
	[tilespmem:s26+$0x12520] =	vst v0  }
0xbe: {  	v0 =	vld [tilespmem:s26+$0x6480];
	[tilespmem:s26+$0x12522] =	vst v2  }
0xbf: {  	v2 =	vld [tilespmem:s26+$0x6490];
	[tilespmem:s26+$0x125A0] =	vst v3  }
0xc0: {  	v3 =	vld [tilespmem:s26+$0x6500];
	[tilespmem:s26+$0x125A2] =	vst v4  }
0xc1: {  	[tilespmem:s26+$0x12400] =	vst v5;
	v4 =	vld [tilespmem:s26+$0x6510]  }
0xc2: {  	[tilespmem:s26+$0x12410] =	vst v1;
	v1 =	vld [tilespmem:s26+$0x6580]  }
0xc3: {  	[tilespmem:s26+$0x12480] =	vst v0;
	v0 =	vld [tilespmem:s26+$0x6590]  }
0xc4: {  	[tilespmem:s26+$0x12490] =	vst v2  }
0xc5: {  	[tilespmem:s26+$0x12500] =	vst v3  }
0xc6: {  	[tilespmem:s26+$0x12510] =	vst v4  }
0xc7: {  	[tilespmem:s26+$0x12580] =	vst v1  }
0xc8: {  	s0 =	simm.s32 $0x0;
	[tilespmem:s26+$0x12590] =	vst v0  }
0xc9: {  	[hbm4b:s8+s0] =	stream.linear.scatter [tilespmem:s17], [sflag:$0x4], $0x4000, $0x38;
	[tilespmem:$0x1E400] =	vst v63  }
0xca: {  	_ =	swait.ge [sflag:s18], $0x4000  }
0xcb: {  	[sflag:s18] =	ssyncset.done $0x0  }
0xcc: {  	[sflag:s18] =	ssyncadd.s32 $0xFFFFC000  }
0xcd: {  	_ =	swait.ge [sflag:s23], $0x4000  }
0xce: {  	[sflag:s23] =	ssyncset.done $0x0  }
0xcf: {  	s26 =	simm.s32 $0x0;
	[sflag:s23] =	ssyncadd.s32 $0xFFFFC000  }
0xd0: {  	v2 =	vld [tilespmem:s26+$0xA420]  }
0xd1: {  	v3 =	vld [tilespmem:s26+$0xA422]  }
0xd2: {  	v4 =	vld [tilespmem:s26+$0xA4A0]  }
0xd3: {  	v1 =	vld [tilespmem:s26+$0xA4A2]  }
0xd4: {  	v0 =	vld [tilespmem:s26+$0xA520]  }
0xd5: {  	[tilespmem:s26+$0x16420] =	vst v2;
	v2 =	vld [tilespmem:s26+$0xA522]  }
0xd6: {  	s1 =	simm.s32 $0x800;
	[tilespmem:s26+$0x16422] =	vst v3;
	v3 =	vld [tilespmem:s26+$0xA5A0]  }
.LBB2_12:
0xd7: {  	p0 =	sne.s32 s1, $0xF800;
	[tilespmem:s26+$0x164A0] =	vst v4;
	v4 =	vld [tilespmem:s26+$0xA5A2]  }
0xd8: {  	v5 =	vld [tilespmem:s26+$0xA400];
	[tilespmem:s26+$0x164A2] =	vst v1  }
0xd9: {  	v1 =	vld [tilespmem:s26+$0xA410];
	[tilespmem:s26+$0x16520] =	vst v0  }
0xda: {  	v0 =	vld [tilespmem:s26+$0xA480];
	[tilespmem:s26+$0x16522] =	vst v2  }
0xdb: {  	v2 =	vld [tilespmem:s26+$0xA490];
	[tilespmem:s26+$0x165A0] =	vst v3  }
0xdc: {  	v3 =	vld [tilespmem:s26+$0xA500];
	[tilespmem:s26+$0x165A2] =	vst v4  }
0xdd: {  	[tilespmem:s26+$0x16400] =	vst v5;
	v5 =	vld [tilespmem:s26+$0xA510]  }
0xde: {  	[tilespmem:s26+$0x16410] =	vst v1;
	v6 =	vld [tilespmem:s26+$0xA580]  }
0xdf: {  	s0 =	sshra.s32 s1, $0x2;
	[tilespmem:s26+$0x16480] =	vst v0;
	v7 =	vld [tilespmem:s26+$0xA590]  }
0xe0: {  	v8 =	vld [tilespmem:s0+$0xA420];
	[tilespmem:s26+$0x16490] =	vst v2  }
0xe1: {  	v9 =	vld [tilespmem:s0+$0xA422];
	[tilespmem:s26+$0x16500] =	vst v3  }
.Ltmp5:
0xe2: {  	v4 =	vld [tilespmem:s0+$0xA4A0];
	[tilespmem:s26+$0x16510] =	vst v5;
	(pc) =	sbr.rel @p0 .LBB2_12-.Ltmp5, $4  }
0xe3: {  	v1 =	vld [tilespmem:s0+$0xA4A2];
	[tilespmem:s26+$0x16580] =	vst v6  }
0xe4: {  	v0 =	vld [tilespmem:s0+$0xA520];
	[tilespmem:s26+$0x16590] =	vst v7;
	s26 =	smov.u32 s0  }
0xe5: {  	[tilespmem:s26+$0x16420] =	vst v8;
	v2 =	vld [tilespmem:s26+$0xA522]  }
0xe6: {  	s1 =	sadd.s32 $0x800, s1;
	[tilespmem:s26+$0x16422] =	vst v9;
	v3 =	vld [tilespmem:s26+$0xA5A0]  }
0xe7: {  	[tilespmem:s26+$0x164A0] =	vst v4;
	v56 =	vld [tilespmem:s26+$0xA5A2]  }
0xe8: {  	v5 =	vld [tilespmem:s26+$0xA400];
	[tilespmem:s26+$0x164A2] =	vst v1  }
0xe9: {  	v57 =	vld [tilespmem:s26+$0xA410];
	[tilespmem:s26+$0x16520] =	vst v0  }
0xea: {  	v58 =	vld [tilespmem:s26+$0xA480];
	[tilespmem:s26+$0x16522] =	vst v2  }
0xeb: {  	v59 =	vld [tilespmem:s26+$0xA490];
	[tilespmem:s26+$0x165A0] =	vst v3  }
0xec: {  	v60 =	vld [tilespmem:s26+$0xA500];
	[tilespmem:s26+$0x165A2] =	vst v56  }
0xed: {  	v61 =	vld [tilespmem:s26+$0xA510];
	[tilespmem:s26+$0x16400] =	vst v5  }
0xee: {  	v62 =	vld [tilespmem:s26+$0xA580];
	[tilespmem:s26+$0x16410] =	vst v57  }
0xef: {  	v63 =	vld [tilespmem:s26+$0xA590];
	[tilespmem:s26+$0x16480] =	vst v58  }
0xf0: {  	[tilespmem:s26+$0x16490] =	vst v59  }
0xf1: {  	[tilespmem:s26+$0x16500] =	vst v60  }
0xf2: {  	[tilespmem:s26+$0x16510] =	vst v61  }
0xf3: {  	[tilespmem:s26+$0x16580] =	vst v62  }
0xf4: {  	[tilespmem:s26+$0x16590] =	vst v63  }
0xf5: {  	[hbm4b:s9+s2] =	stream.linear.scatter [tilespmem:s19], [sflag:$0x5], $0x4000, $0x38;
	[tilespmem:$0x1E400] =	vst v63  }
0xf6: {  	_ =	swait.ge [sflag:s22], $0x4000  }
0xf7: {  	[sflag:s22] =	ssyncset.done $0x0  }
0xf8: {  	s25 =	sadd.s32 $0x1, s25;
	[sflag:s22] =	ssyncadd.s32 $0xFFFFC000  }
0xf9: {  	p0 =	sne.s32 s25, s10;
	_ =	swait.ge [sflag:s23], $0x4000  }
.Ltmp6:
0xfa: {  	[sflag:s23] =	ssyncset.done $0x0;
	(pc) =	sbr.rel @p0 .LBB2_1-.Ltmp6, $4  }
0xfb: {  	[sflag:s23] =	ssyncadd.s32 $0xFFFFC000  }
0xfc: {  	_ =	swait.ge [sflag:s24], $0x4000  }
0xfd: {  	[sflag:s24] =	ssyncset.done $0x0  }
0xfe: {  	[sflag:s24] =	ssyncadd.s32 $0xFFFFC000  }
0xff: {  	_ =	sfence.sel $0x180000  }
0x100: {  	[bflag:$0x0] =	sbarrier.arrive $0xFFFF  }
0x101: {  	_ =	strace $0x90000047  }
0x102: {  	s0 =	stileid.u32;
	[bflag:$0x2] =	sbarrier.arrive $0xFFFF  }
0x103: {  	p0 =	sne.s32 s0, $0x0;
	s0 =	rddreg [dreg:$0x2]  }
0x104: {  	s0 =	sadd.s32 @!p0 $0x100000, s0  }
0x105: {  	[sflag:s0] =	ssyncadd.tile.s32 @!p0 $0x1;
	_ =	shalt  }
.Lfunc_end2:
_tile_overlayer_lowered:
.L_overlay_start_2:
0x106: {  	(tag) =	ssettag $0x2  }
0x107: {  	s0 =	rddreg [dreg:$0x0];
	s2 =	stileid.u32  }
0x108: {  	s1 =	rddreg [dreg:$0x1];
	p0 =	sne.s32 s2, $0x0  }
0x109: {  	s3 =	rddreg [dreg:$0x2];
	[bflag:$0x3] =	sbarrier.arrive $0xFFFF;
	s2 =	simm.s32 @!p0 $0x1C07  }
0x10a: {  	[timem:s3], [sflag:s2] =	dma.local @!p0 [hbm:s0], s1  }
0x10b: {  	s0 =	simm.s32 @!p0 $0x7  }
0x10c: {  	_ =	swait.ge @!p0 [sflag:s0], s1  }
0x10d: {  	s1 =	ssub.s32 @!p0 $0x0, s1;
	[sflag:s0] =	ssyncset.done @!p0 $0x0  }
0x10e: {  	[sflag:s0] =	ssyncadd.s32 @!p0 s1  }
0x10f: {  	[bflag:$0x3] =	sbarrier.arrive $0xFFFF  }
0x110: {  	_ =	shalt  }

// kernel: sparse-core-data-format-call.cloned.1.call-start
scs
called_computation_lowered:
.L_overlay_start_0:
0x0: {  	s2 =	sld [smem:$0x3FD9]  }
0x1: {  	s3 =	sld [smem:$0x3FFE];
	_ =	sdelay $0x1  }
0x2: {  	s1 =	srdreg.scid  }
0x3: {  	s0 =	sand.u32 $0x1, s1  }
0x4: {  	s18 =	sshll.u32 s0, $0xA;
	s2 =	sadd.s32 s3, s2  }
0x5: {  	s2 =	sadd.s32 s2, s18  }
0x6: {  	[smem:$0x3FC6] =	sst s2  }
0x7: {  	_ = 	snop  }
0x8: {  	s2 =	sld [smem:$0x3FD0];
	(tm) =	ssettm $0x1  }
0x9: {  	s19 =	sld [smem:$0x3FFB];
	_ =	sdelay $0x3  }
0xa: {  	_ =	strace s19  }
0xb: {  	s3 =	sld [smem:$0x3FFC];
	_ =	sdelay $0x3  }
0xc: {  	_ =	strace s3  }
0xd: {  	s3 =	sld [smem:$0x3FFD];
	_ =	sdelay $0x3  }
0xe: {  	_ =	strace s3  }
0xf: {  	_ =	strace $0x8FFFFFFF  }
0x10: {  	s20 =	sld [smem:$0x3FDB];
	_ =	sdelay $0x1  }
0x11: {  	s4 =	simm.s32 $_scs_section_size  }
0x12: {  	s5 =	simm.s32 $_size__tile_overlayer_lowered;
	s6 =	simm.s32 $_tile_overlayer_lowered  }
0x13: {  	s23 =	simm.s32 $0x1BFF;
	s22 =	sshll.u32 s6, $0x1;
	s3 =	sadd.s32 s4, s20  }
0x14: {  	s7 =	simm.s32 $0x0;
	s21 =	sshll.u32 s5, $0x1;
	s5 =	sadd.s32 s22, s3  }
0x15: {  	[timem:s7], [sflag:s23] =	dma.local [hbm:s5], s21  }
0x16: {  	_ =	swait.ge [sflag:s23], s21  }
0x17: {  	s4 =	ssub.s32 $0x0, s21;
	[sflag:s23] =	ssyncset.done $0x0  }
0x18: {  	[sflag:s23] =	ssyncadd.s32 s4;
	_ =	sdelay $0x1  }
0x19: {  	s24 =	simm.s32 $0x1B8B  }
0x1a: {  	_ =	swait.ge [sflag:s24], $0x1  }
0x1b: {  	[sflag:s24] =	ssyncset.done $0x0  }
0x1c: {  	s26 =	simm.s32 $0x1B8E;
	s25 =	sld [smem:$0x3FFE];
	[sflag:s24] =	ssyncadd.s32 $0xFFFFFFFF  }
0x1d: {  	s27 =	simm.s32 $execute0_lowered;
	[smem:$0x3FD2] =	sst s26  }
0x1e: {  	s5 =	sshll.u32 s27, $0x1;
	_ =	strace $0x80000049;
	[dreg:$0x1] =	wrdreg $0xFFFFFFFF  }
0x1f: {  	s28 =	simm.s32 $_size_execute0_lowered;
	s3 =	sadd.s32 s3, s5;
	[dreg:$0x0] =	wrdreg $0x0  }
0x20: {  	s5 =	sshll.u32 s28, $0x1;
	[dreg:$0x2] =	wrdreg s3  }
0x21: {  	[dreg:$0x3] =	wrdreg s5  }
0x22: {  	[dreg:$0x4] =	wrdreg $0xC0  }
0x23: {  	_ =	task [dreg:s7], $0x5FFFF  }
0x24: {  	[dreg:$0x1] =	wrdreg $0xFFFFFFFF  }
0x25: {  	[dreg:$0x0] =	wrdreg $0x60  }
0x26: {  	[dreg:$0x2] =	wrdreg s25  }
0x27: {  	[dreg:$0x3] =	wrdreg s2  }
0x28: {  	[dreg:$0x4] =	wrdreg $0x9  }
0x29: {  	_ =	task.clear_ibuf [dreg:s7], $0x5FFFF;
	_ =	strace $0x90000049  }
0x2a: {  	s29 =	simm.s32 $0x9;
	_ =	strace $0x8000004B  }
0x2b: {  	_ =	swait.ge [sflag:s29], $0x1  }
0x2c: {  	[sflag:s29] =	ssyncadd.s32 $0xFFFFFFFF  }
0x2d: {  	_ =	strace $0x9000004B  }
0x2e: {  	_ =	sfence  }
0x2f: {  	s30 =	sld [smem:$0x0];
	_ =	sdelay $0x2  }
0x30: {  	s31 =	sshll.u32 s1, $0xD;
	s1 =	sshrl.u32 s1, $0x2  }
0x31: {  	s3 =	sand.u32 $0x4000, s31;
	s1 =	sadd.s32 s1, s30  }
0x32: {  	s0 =	sor.u32 s3, s0;
	s1 =	sshll.u32 s1, $0x11  }
0x33: {  	s0 =	sor.u32 s1, s0  }
0x34: {  	s0 =	sadd.s32 $0x8F2B, s0  }
0x35: {  	[sflag:s0] =	ssyncadd.remote.s32 $0x1  }
0x36: {  	_ =	sfence.sel $0xFFFF  }
0x37: {  	[dreg:$0x0] =	wrdreg $0xFFFFFFFF;
	(pc) =	sbr.abs _section_cstart, $3  }
0x38: {  	[dreg:$0x1] =	wrdreg $0xFFFFFFFF  }
0x39: {  	_ =	task.clear_ibuf [dreg:s7], $0x2FFFF;
	_ =	strace $0x9FFFFFFF  }
0x3a: {  	(tm) =	ssettm $0x7FFFFFFF  }
0x3b: {  	_ =	shalt  }
tec
execute0_lowered:
.L_overlay_start_1:
0x0: {  	(tag) =	ssettag $0x1  }
0x1: {  	s0 =	srdreg.scid  }
0x2: {  	s1 =	sshll.u32 s0, $0x4  }
0x3: {  	s6 =	rddreg [dreg:$0x0];
	s0 =	stileid.u32;
	s1 =	sand.u32 $0x10, s1  }
0x4: {  	s3 =	rddreg [dreg:$0x1];
	s1 =	sor.u32 s0, s1  }
0x5: {  	s5 =	simm.s32 $0x1;
	s31 =	simm.s32 $0x2;
	s2 =	sshll.u32 s1, $0x7  }
0x6: {  	s15 =	simm.s32 $0x0;
	s8 =	simm.s32 $0xC8000;
	s4 =	ssub.s32 $0x1000, s2  }
0x7: {  	s14 =	simm.s32 $0x0;
	s9 =	simm.s32 $0x0;
	s30 =	sand.u32 $0xF80, s4  }
0x8: {  	s10 =	simm.s32 $0x0;
	s11 =	simm.s32 $0x0;
	p0 =	sne.s32 s30, $0x0  }
.Ltmp0:
0x9: {  	s7 =	sshrl.u32 s4, $0xC;
	s5 =	simm.s32 @!p0 $0x0;
	(pc) =	sbr.rel .LBB1_1-.Ltmp0, $4  }
0xa: {  	s13 =	simm.s32 $0x0;
	s1 =	rddreg [dreg:$0x2];
	s5 =	sadd.s32 s5, s7  }
0xb: {  	_ =	strace $0x8000004A;
	s4 =	simm.s32 $0x1;
	s5 =	smul.u32 $0xC8, s5  }
0xc: {  	s6 =	sadd.s32 $0xC35800, s6;
	s12 =	smov.u32 s2;
	[sflag:s4] =	ssyncpa.u1 $0x0  }
0xd: {  	[sflag:s31] =	ssyncpa.u1 $0x0;
	p0 =	por $0x0, $0x0;
	s7 =	sor.u32 $0x1, s5  }
.LBB1_4:
0xe: {  	s18 =	sshll.u32 s9, $0xC;
	s19 =	sand.u32 $0x78, s10;
	s20 =	sshll.u32 s10, $0x3  }
0xf: {  	s22 =	sshll.u32 s9, $0x7;
	p1 =	sgt.s32 s9, $0xC7;
	s25 =	sshra.s32 s9, $0x1F  }
0x10: {  	s23 =	smov.u32 s10;
	s24 =	sshra.s32 s10, $0x1F;
	s29 =	sand.u32 $0x7, s10  }
0x11: {  	s18 =	sand.u32 $0xFFFF8000, s18;
	s21 =	sand.u32 $0xFFFFFC00, s20;
	s20 =	sand.u32 $0xC00, s20  }
0x12: {  	s30 =	sand.u32 $0x380, s22;
	s22 =	sand.u32 s25, s9;
	s18 =	sadd.s32 s21, s18  }
0x13: {  	s19 =	sor.u32 s19, s20;
	s20 =	smov.u32 s9;
	s18 =	sshrl.u32 s18, $0xC  }
0x14: {  	s20 =	simm.s32 @!p1 $0xC7;
	p1 =	sgt.s32 s10, $0xF80;
	s31 =	smulhi.u32 $0x147AE15, s18  }
0x15: {  	s26 =	sand.u32 s24, s10;
	s20 =	ssub.s32 s20, s22;
	s23 =	simm.s32 @!p1 $0xF80  }
0x16: {  	s27 =	ssub.s32 $0xC8, s20;
	s22 =	ssub.s32 s23, s26;
	s21 =	smul.u32 $0xC8, s31  }
0x17: {  	s20 =	sadd.s32 $0xFFFFFF39, s20;
	s23 =	smul.u32 $0x32, s27;
	s28 =	sadd.s32 $0xFFFFF080, s22  }
0x18: {  	p1 =	sgt.s32 s20, $0x0;
	s20 =	ssub.s32 $0x1000, s22;
	p2 =	sgt.s32 s28, $0x7F  }
0x19: {  	s19 =	sor.u32 s30, s19;
	s23 =	simm.s32 @p1 $0x0;
	s20 =	simm.s32 @p2 $0x0  }
0x1a: {  	[tilespmem:s17+$0x810 ss:$0x81] =	vst.msk $0xffff, v2;
	s19 =	sshrl.u32 s19, $0x3;
	s18 =	ssub.s32 s18, s21;
	s20 =	smul.u32 s20, s23  }
0x1b: {  	[tilespmem:s17+$0x1020 ss:$0x81] =	vst.msk $0xffff, v0;
	s19 =	sadd.s32 s3, s19;
	s21 =	sshll.u32 s29, $0x12;
	s18 =	sshll.u32 s18, $0x9  }
0x1c: {  	[tilespmem:s17+$0x0 ss:$0x81] =	vst.msk $0xffff, v1;
	s31 =	sor.u32 $0x80, s21;
	s18 =	sadd.s32 s18, s19;
	s30 =	sand.u32 $0x3FFFFFFE, s20  }
0x1d: {  	[hbm4b:s18+s31] =	stream.strided.scatter [tilespmem:s16], [sflag:$0x2], s30, s8, s31, $0x20;
	[tilespmem:$0x8080] =	vst v63  }
.LBB1_5:
0x1e: {  	p1 =	slt.u32 s13, $0x2  }
0x1f: {  	s17 =	smov.u32 s15;
	p2 =	sgt.s32 @!p1 s15, $0xC7;
	s16 =	sshra.s32 @!p1 s15, $0x1F  }
0x20: {  	p3 =	sgt.s32 @!p1 s14, $0xF80;
	s18 =	sshra.s32 @!p1 s14, $0x1F;
	p2 =	por !p2, p1  }
0x21: {  	s15 =	sand.u32 @!p1 s16, s15;
	p3 =	por !p3, p1;
	s16 =	smov.u32 s14  }
0x22: {  	s14 =	sand.u32 @!p1 s18, s14;
	s17 =	simm.s32 @p2 $0xC7;
	s16 =	simm.s32 @p3 $0xF80  }
0x23: {  	s18 =	smov.u32 s12;
	s15 =	ssub.s32 @!p1 s17, s15;
	s14 =	ssub.s32 @!p1 s16, s14  }
0x24: {  	s16 =	sadd.s32 @!p1 $0xFFFFFF39, s15;
	s15 =	ssub.s32 @!p1 $0xC8, s15;
	s17 =	sadd.s32 @!p1 $0xFFFFF080, s14  }
0x25: {  	p2 =	sgt.s32 @!p1 s16, $0x0;
	s15 =	smul.u32 @!p1 $0x32, s15;
	p3 =	sgt.s32 @!p1 s17, $0x7F  }
0x26: {  	s14 =	ssub.s32 @!p1 $0x1000, s14;
	p2 =	por !p2, p1;
	p3 =	por !p3, p1  }
0x27: {  	s16 =	sadd.s32 $0x1, s11;
	s15 =	simm.s32 @!p2 $0x0;
	s14 =	simm.s32 @!p3 $0x0  }
0x28: {  	p2 =	sgt.s32 s16, $0xC7;
	s14 =	smul.u32 @!p1 s14, s15;
	s15 =	sadd.s32 $0x1000, s12  }
0x29: {  	s18 =	smov.u32 @p2 s15  }
0x2a: {  	s16 =	simm.s32 @p2 $0x0;
	p2 =	sgt.s32 s18, $0xFFF  }
0x2b: {  	s18 =	smov.u32 @p2 s2;
	p2 =	sne.s32 s13, s7  }
.Ltmp1:
0x2c: {  	p0 =	por !p0, !p0;
	s17 =	simm.s32 @!p1 $0x2;
	(pc) =	sbr.rel @!p2 .LBB1_6-.Ltmp1, $4  }
0x2d: {  	s15 =	smov.u32 s9;
	s9 =	smov.u32 s11;
	s14 =	sand.u32 @!p1 $0x3FFFFFFE, s14  }
0x2e: {  	s11 =	smov.u32 s16;
	_ =	swait.ge @!p1 [sflag:s17], s14;
	s19 =	ssub.s32 @!p1 $0x0, s14  }
0x2f: {  	s14 =	smov.u32 s10;
	s13 =	sadd.s32 $0x1, s13;
	[sflag:s17] =	ssyncset.done @!p1 $0x0  }
0x30: {  	s10 =	smov.u32 s12;
	s12 =	smov.u32 s18;
	[sflag:s17] =	ssyncadd.s32 @!p1 s19  }
.LBB1_1:
0x31: {  	p1 =	sge.u32 s13, s5  }
0x32: {  	s16 =	sand.u32 @!p1 $0x1FFFFFF, s11  }
0x33: {  	s17 =	smulhi.u32 @!p1 $0x147AE15, s16;
	_ =	sdelay $0x1  }
0x34: {  	s17 =	smul.u32 @!p1 $0xC8, s17  }
0x35: {  	s18 =	sxor.u32 @!p1 $0xFFFFFFFF, s13;
	s19 =	smul.u32 @!p1 $0xC80, s12  }
0x36: {  	s31 =	sadd.s32 $0xFFFFFFFF, s13;
	s18 =	sshll.u32 @!p1 s18, $0xD;
	s16 =	ssub.s32 @!p1 s16, s17  }
0x37: {  	s17 =	sand.u32 @!p1 $0x2000, s18;
	s18 =	sadd.s32 @!p1 s6, s19;
	s16 =	sshll.u32 @!p1 s16, $0x4  }
0x38: {  	s19 =	simm.s32 @!p1 $0x6400;
	s16 =	sadd.s32 @!p1 s16, s18;
	s18 =	simm.s32 @!p1 $0x40  }
0x39: {  	[tilespmem:s17], [sflag:$0x1] =	stream.strided.gather @!p1 [hbm4b:s16+s18], $0x2000, s19, s18, $0x38;
	[tilespmem:$0x8080] =	vst v63  }
0x3a: {  	p1 =	sge.u32 s31, s5  }
.Ltmp2:
0x3b: {  	_ = 	snop;
	(pc) =	sbr.rel @p1 .LBB1_5-.Ltmp2, $1  }
0x3c: {  	_ =	sdelay $0x3  }
0x3d: {  	s16 =	simm.s32 $0x1  }
0x3e: {  	_ =	swait.ge [sflag:s4], $0x2000;
	s16 =	simm.s32 @!p0 $0x0  }
0x3f: {  	[sflag:s4] =	ssyncset.done $0x0;
	s17 =	sshll.u32 s16, $0xD  }
0x40: {  	[sflag:s4] =	ssyncadd.s32 $0xFFFFE000;
	s20 =	sor.u32 $0x20, s17  }
0x41: {  	s16 =	smul.u32 $0x8100, s16;
	v3 =	vld [tilespmem:s20+$0x10]  }
0x42: {  	s30 =	sand.u32 $0x1, s13;
	v2 =	vld [tilespmem:s20+$0xFFFFFFF0]  }
0x43: {  	s17 =	smul.u32 $0x8100, s30;
	s16 =	sshrl.u32 s16, $0x2;
	v0 =	vld [tilespmem:s20+$0x0]  }
0x44: {  	v1 =	vld [tilespmem:s20+$0xFFFFFFE0];
	s18 =	sor.u32 $0x4000, s16  }
0x45: {  	s31 =	sshrl.u32 s17, $0x2;
	s17 =	sadd.s32 $0x0, s18  }
0x46: {  	s19 =	simm.s32 $0x4;
	s20 =	sadd.s32 $0x40, s20;
	s16 =	sor.u32 $0x4000, s31;
	[tilespmem:s17+$0x1830 ss:$0x81] =	vst.msk $0xffff, v3  }
.LBB1_3:
0x47: {  	v3 =	vld [tilespmem:s20+$0x10];
	p1 =	sne.s32 s19, $0x1FC;
	[tilespmem:s17+$0x810 ss:$0x81] =	vst.msk $0xffff, v2;
	s21 =	smov.u32 s19;
	s19 =	sadd.s32 $0x4, s19  }
.Ltmp3:
0x48: {  	v2 =	vld [tilespmem:s20+$0xFFFFFFF0];
	[tilespmem:s17+$0x1020 ss:$0x81] =	vst.msk $0xffff, v0;
	(pc) =	sbr.rel @p1 .LBB1_3-.Ltmp3, $4  }
0x49: {  	v0 =	vld [tilespmem:s20+$0x0];
	[tilespmem:s17+$0x0 ss:$0x81] =	vst.msk $0xffff, v1  }
0x4a: {  	s17 =	sshra.s32 s21, $0x2;
	v1 =	vld [tilespmem:s20+$0xFFFFFFE0]  }
0x4b: {  	s17 =	sadd.s32 s17, s18  }
0x4c: {  	s20 =	sadd.s32 $0x40, s20;
	[tilespmem:s17+$0x1830 ss:$0x81] =	vst.msk $0xffff, v3  }
.Ltmp4:
0x4d: {  	_ = 	snop;
	(pc) =	sbr.rel .LBB1_4-.Ltmp4, $1  }
0x4e: {  	_ =	sdelay $0x3  }
.LBB1_6:
0x4f: {  	_ =	sfence.sel $0x180000  }
0x50: {  	s2 =	simm.s32 $0x1;
	[bflag:$0x0] =	sbarrier.arrive $0xFFFF  }
0x51: {  	s31 =	simm.s32 $0x2;
	[sflag:s2] =	ssyncpa.u1 $0x1  }
0x52: {  	[sflag:s31] =	ssyncpa.u1 $0x1  }
0x53: {  	p0 =	sne.s32 s0, $0x0;
	_ =	strace $0x9000004A  }
0x54: {  	s0 =	sadd.s32 @!p0 $0x100000, s1;
	[bflag:$0x2] =	sbarrier.arrive $0xFFFF  }
0x55: {  	[sflag:s0] =	ssyncadd.tile.s32 @!p0 $0x1;
	_ =	shalt  }
.Lfunc_end1:
_tile_overlayer_lowered:
.L_overlay_start_2:
0x56: {  	(tag) =	ssettag $0x2  }
0x57: {  	s0 =	rddreg [dreg:$0x0];
	s2 =	stileid.u32  }
0x58: {  	s1 =	rddreg [dreg:$0x1];
	p0 =	sne.s32 s2, $0x0  }
0x59: {  	s3 =	rddreg [dreg:$0x2];
	[bflag:$0x3] =	sbarrier.arrive $0xFFFF;
	s2 =	simm.s32 @!p0 $0x1C01  }
0x5a: {  	[timem:s3], [sflag:s2] =	dma.local @!p0 [hbm:s0], s1  }
0x5b: {  	s0 =	simm.s32 @!p0 $0x1  }
0x5c: {  	_ =	swait.ge @!p0 [sflag:s0], s1  }
0x5d: {  	s1 =	ssub.s32 @!p0 $0x0, s1;
	[sflag:s0] =	ssyncset.done @!p0 $0x0  }
0x5e: {  	[sflag:s0] =	ssyncadd.s32 @!p0 s1  }
0x5f: {  	[bflag:$0x3] =	sbarrier.arrive $0xFFFF  }
0x60: {  	_ =	shalt  }

</sc_bundles>
